<compile_context>
chip_gen: v7x
topology: tpu7x:2x2x1
jax: 0.10.2.dev20260603
libtpu: 0.0.44.dev20260713+nightly
codegen_flags: <defaults>
</compile_context>

<pallas_src>
import functools

import jax
import jax.numpy as jnp
from jax import lax
from jax.experimental import pallas as pl
from jax.experimental.pallas import tpu as pltpu
from jax.experimental.pallas import tpu_sc as plsc

_C = 64
_NE = 8192
_B = 16384
_BT = 256


def _mlp_blocks(h, Wt, b, g, bt, m, v):
    for i in range(Wt.shape[0]):
        h = jnp.dot(h, Wt[i], preferred_element_type=jnp.float32) + b[i]
        h = g[i] * (h - m[i]) / jnp.sqrt(v[i] + 1e-5) + bt[i]
        h = jnp.maximum(h, 0.0)
    return h


def _vq_head(h, W1t, b1, W2t, b2):
    t = jnp.tanh(jnp.dot(h, W1t, preferred_element_type=jnp.float32) + b1)
    return jnp.dot(t, W2t, preferred_element_type=jnp.float32) + b2


def _enc_kernel(x_ref, encWt_ref, encb_ref, encg_ref, encbt_ref, encm_ref,
                encv_ref, evq1t_ref, evqb1_ref, evq2t_ref, evqb2_ref, z_ref):
    h = _mlp_blocks(x_ref[...], encWt_ref, encb_ref, encg_ref, encbt_ref,
                    encm_ref, encv_ref)
    z_ref[...] = _vq_head(h, evq1t_ref[...], evqb1_ref[...], evq2t_ref[...],
                          evqb2_ref[...])


def _argmin_kernel(znT_ref, zn2b_ref, cbn_ref, c2col_ref, ind_ref):
    s = jnp.dot(cbn_ref[...], 2.0 * znT_ref[...],
                preferred_element_type=jnp.float32)
    dmat = (zn2b_ref[0:1, :] + c2col_ref[...]) - s
    mind = jnp.min(dmat, axis=0, keepdims=True)
    iota = lax.broadcasted_iota(jnp.int32, (_NE, _BT), 0)
    indrow = jnp.min(jnp.where(dmat == mind, iota, _NE), axis=0,
                     keepdims=True)
    ind_ref[...] = jnp.broadcast_to(indrow, (8, _BT))


def _dec_kernel(zn_ref, zqpair_ref, ind_ref, decWt_ref, decb_ref, decg_ref,
                decbt_ref, decm_ref, decv_ref, dvq1t_ref, dvqb1_ref,
                dvq2t_ref, dvqb2_ref, xrec_ref, loss_ref):
    zn = zn_ref[...]
    pair = zqpair_ref[...]
    parity = ind_ref[...] & 1
    z_q = jnp.where(parity == 0, pair[:, :_C], pair[:, _C:])
    diff = z_q - zn
    part = jnp.sum(diff * diff, keepdims=True)

    @pl.when(pl.program_id(0) == 0)
    def _():
        loss_ref[...] = jnp.zeros_like(loss_ref)

    loss_ref[...] += part

    zq_st = zn + (z_q - zn)
    h2 = _mlp_blocks(zq_st, decWt_ref, decb_ref, decg_ref, decbt_ref,
                     decm_ref, decv_ref)
    xrec_ref[...] = _vq_head(h2, dvq1t_ref[...], dvqb1_ref[...],
                             dvq2t_ref[...], dvqb2_ref[...])


def _full(shape):
    nd = len(shape)
    return pl.BlockSpec(shape, lambda i, _nd=nd: (0,) * _nd)


def _sc_gather(cbn_pairs, idx2d):
    info = plsc.get_sparse_core_info()
    nc, ns = info.num_cores, info.num_subcores
    nw = nc * ns
    bpw = _B // nw
    nch = bpw // 128
    mesh = plsc.VectorSubcoreMesh(core_axis_name="c", subcore_axis_name="s")

    @functools.partial(
        pl.kernel, mesh=mesh,
        out_type=jax.ShapeDtypeStruct((_B, 2 * _C), jnp.float32),
        scratch_types=[
            pltpu.VMEM((bpw,), jnp.int32),
            pltpu.VMEM((bpw, 2 * _C), jnp.float32),
            pltpu.SemaphoreType.DMA,
        ],
    )
    def gather(table_hbm, idx_hbm, out_hbm, idx_v, rows_v, sem):
        wid = lax.axis_index("s") * nc + lax.axis_index("c")
        pltpu.sync_copy(idx_hbm.at[wid], idx_v)
        handles = []
        for j in range(nch):
            handles.append(pltpu.async_copy(
                table_hbm.at[idx_v.at[pl.ds(j * 128, 128)]],
                rows_v.at[pl.ds(j * 128, 128)], sem))
        for h in handles:
            h.wait()
        pltpu.sync_copy(rows_v, out_hbm.at[pl.ds(wid * bpw, bpw)])

    return gather(cbn_pairs, idx2d)


def kernel(x, enc_W, enc_b, enc_gamma, enc_beta, enc_mean, enc_var,
           enc_vq_W1, enc_vq_b1, enc_vq_W2, enc_vq_b2,
           dec_W, dec_b, dec_gamma, dec_beta, dec_mean, dec_var,
           dec_vq_W1, dec_vq_b1, dec_vq_W2, dec_vq_b2, codebook):
    f32 = jnp.float32
    grid = (_B // _BT,)
    r2 = lambda a: a.reshape(a.shape[0], 1, _C)
    r1 = lambda a: a.reshape(1, _C)

    z = pl.pallas_call(
        _enc_kernel,
        grid=grid,
        in_specs=[
            pl.BlockSpec((_BT, _C), lambda i: (i, 0)),
            _full((2, _C, _C)), _full((2, 1, _C)), _full((2, 1, _C)),
            _full((2, 1, _C)), _full((2, 1, _C)), _full((2, 1, _C)),
            _full((_C, _C)), _full((1, _C)), _full((_C, _C)), _full((1, _C)),
        ],
        out_specs=pl.BlockSpec((_BT, _C), lambda i: (i, 0)),
        out_shape=jax.ShapeDtypeStruct((_B, _C), f32),
    )(x, jnp.transpose(enc_W, (0, 2, 1)), r2(enc_b), r2(enc_gamma),
      r2(enc_beta), r2(enc_mean), r2(enc_var),
      enc_vq_W1.T, r1(enc_vq_b1), enc_vq_W2.T, r1(enc_vq_b2))

    zn = lax.optimization_barrier(
        z / jnp.maximum(jnp.sqrt(jnp.sum(z * z, axis=-1, keepdims=True)),
                        1e-12))
    zn2 = lax.optimization_barrier(jnp.sum(zn * zn, axis=-1, keepdims=True))
    cbn = lax.optimization_barrier(codebook / jnp.maximum(
        jnp.sqrt(jnp.sum(codebook * codebook, axis=-1, keepdims=True)),
        1e-12))
    c2 = lax.optimization_barrier(jnp.sum(cbn * cbn, axis=-1))
    znT = lax.optimization_barrier(zn.T)
    zn2b = lax.optimization_barrier(
        jnp.broadcast_to(zn2.reshape(1, _B), (8, _B)))
    c2col = lax.optimization_barrier(c2.reshape(_NE, 1))

    ind8 = pl.pallas_call(
        _argmin_kernel,
        grid=grid,
        in_specs=[
            pl.BlockSpec((_C, _BT), lambda i: (0, i)),
            pl.BlockSpec((8, _BT), lambda i: (0, i)),
            _full((_NE, _C)), _full((_NE, 1)),
        ],
        out_specs=pl.BlockSpec((8, _BT), lambda i: (0, i)),
        out_shape=jax.ShapeDtypeStruct((8, _B), jnp.int32),
    )(znT, zn2b, cbn, c2col)
    ind = ind8[0].reshape(_B, 1)

    info = plsc.get_sparse_core_info()
    nw = info.num_cores * info.num_subcores
    zq_pair = _sc_gather(cbn.reshape(_NE // 2, 2 * _C),
                         (ind >> 1).reshape(nw, _B // nw))

    xrec, loss = pl.pallas_call(
        _dec_kernel,
        grid=grid,
        in_specs=[
            pl.BlockSpec((_BT, _C), lambda i: (i, 0)),
            pl.BlockSpec((_BT, 2 * _C), lambda i: (i, 0)),
            pl.BlockSpec((_BT, 1), lambda i: (i, 0)),
            _full((2, _C, _C)), _full((2, 1, _C)), _full((2, 1, _C)),
            _full((2, 1, _C)), _full((2, 1, _C)), _full((2, 1, _C)),
            _full((_C, _C)), _full((1, _C)), _full((_C, _C)), _full((1, _C)),
        ],
        out_specs=[
            pl.BlockSpec((_BT, _C), lambda i: (i, 0)),
            pl.BlockSpec((1, 1), lambda i: (0, 0)),
        ],
        out_shape=[jax.ShapeDtypeStruct((_B, _C), f32),
                   jax.ShapeDtypeStruct((1, 1), f32)],
    )(zn, zq_pair, ind, jnp.transpose(dec_W, (0, 2, 1)), r2(dec_b), r2(dec_gamma),
      r2(dec_beta), r2(dec_mean), r2(dec_var),
      dec_vq_W1.T, r1(dec_vq_b1), dec_vq_W2.T, r1(dec_vq_b2))

    emb_loss = loss[0, 0] / (_B * _C)
    return (xrec, emb_loss)

# --- scband reference (transcript-rebuilt; emitter-appended) ---
"""Pipeline reference for scband-gap-net-vq-532575945105 (READ-ONLY COPY).

The authoritative reference and input builder live on the scoring server;
editing this copy changes nothing except your own understanding.
"""

import jax, jax.numpy as jnp
import numpy as np

N_BLOCKS = 2
IN_C = 64
N_EMBED = 8192
B = 16384


def setup_inputs(seed: int = 0) -> dict:
    key = jax.random.key(seed)
    ks = jax.random.split(key, 10)
    d = {}
    d["x"] = jax.random.normal(ks[0], (B, IN_C), dtype=jnp.float32)
    # encoder Block_fc_enc stack params (Linear + BatchNorm1d eval-mode)
    d["enc_W"] = jax.random.normal(ks[1], (N_BLOCKS, IN_C, IN_C), dtype=jnp.float32) * 0.01
    d["enc_b"] = jnp.zeros((N_BLOCKS, IN_C), dtype=jnp.float32)
    d["enc_gamma"] = jnp.ones((N_BLOCKS, IN_C), dtype=jnp.float32)
    d["enc_beta"] = jnp.zeros((N_BLOCKS, IN_C), dtype=jnp.float32)
    d["enc_mean"] = jnp.zeros((N_BLOCKS, IN_C), dtype=jnp.float32)
    d["enc_var"] = jnp.ones((N_BLOCKS, IN_C), dtype=jnp.float32)
    # encoder VQ_layer head: Linear -> Tanh -> Linear
    d["enc_vq_W1"] = jax.random.normal(ks[2], (IN_C, IN_C), dtype=jnp.float32) * 0.01
    d["enc_vq_b1"] = jnp.zeros((IN_C,), dtype=jnp.float32)
    d["enc_vq_W2"] = jax.random.normal(ks[3], (IN_C, IN_C), dtype=jnp.float32) * 0.01
    d["enc_vq_b2"] = jnp.zeros((IN_C,), dtype=jnp.float32)
    # decoder params
    d["dec_W"] = jax.random.normal(ks[4], (N_BLOCKS, IN_C, IN_C), dtype=jnp.float32) * 0.01
    d["dec_b"] = jnp.zeros((N_BLOCKS, IN_C), dtype=jnp.float32)
    d["dec_gamma"] = jnp.ones((N_BLOCKS, IN_C), dtype=jnp.float32)
    d["dec_beta"] = jnp.zeros((N_BLOCKS, IN_C), dtype=jnp.float32)
    d["dec_mean"] = jnp.zeros((N_BLOCKS, IN_C), dtype=jnp.float32)
    d["dec_var"] = jnp.ones((N_BLOCKS, IN_C), dtype=jnp.float32)
    d["dec_vq_W1"] = jax.random.normal(ks[5], (IN_C, IN_C), dtype=jnp.float32) * 0.01
    d["dec_vq_b1"] = jnp.zeros((IN_C,), dtype=jnp.float32)
    d["dec_vq_W2"] = jax.random.normal(ks[6], (IN_C, IN_C), dtype=jnp.float32) * 0.01
    d["dec_vq_b2"] = jnp.zeros((IN_C,), dtype=jnp.float32)
    # NormEMA codebook (stored l2-normalized in torch impl; normalize again in reference)
    d["codebook"] = jax.random.normal(ks[7], (N_EMBED, IN_C), dtype=jnp.float32)
    return d


def _bn_eval(h, g, b, m, v, eps=1e-5):
    return g * (h - m) / jnp.sqrt(v + eps) + b


def _blocks(h, W, b, g, bt, m, v):
    for i in range(W.shape[0]):
        h = h @ W[i].T + b[i]
        h = _bn_eval(h, g[i], bt[i], m[i], v[i])
        h = jax.nn.relu(h)
    return h


def _vq_head(h, W1, b1, W2, b2):
    return jnp.tanh(h @ W1.T + b1) @ W2.T + b2


def _l2norm(t, eps=1e-12):
    return t / jnp.maximum(jnp.linalg.norm(t, axis=-1, keepdims=True), eps)


def reference(x, enc_W, enc_b, enc_gamma, enc_beta, enc_mean, enc_var,
              enc_vq_W1, enc_vq_b1, enc_vq_W2, enc_vq_b2,
              dec_W, dec_b, dec_gamma, dec_beta, dec_mean, dec_var,
              dec_vq_W1, dec_vq_b1, dec_vq_W2, dec_vq_b2, codebook):
    # encode
    h = _blocks(x, enc_W, enc_b, enc_gamma, enc_beta, enc_mean, enc_var)
    z = _vq_head(h, enc_vq_W1, enc_vq_b1, enc_vq_W2, enc_vq_b2)
    # NormEMAVectorQuantizer (eval mode): l2-normalize z and codebook,
    # nearest-neighbor lookup, straight-through, commitment loss (beta=1.0)
    zn = _l2norm(z)
    cb = _l2norm(codebook)
    dmat = (jnp.sum(zn ** 2, axis=-1, keepdims=True)
            + jnp.sum(cb ** 2, axis=-1)
            - 2.0 * zn @ cb.T)
    embed_ind = jnp.argmin(dmat, axis=1)
    z_q = jnp.take(cb, embed_ind, axis=0)
    emb_loss = 1.0 * jnp.mean((jax.lax.stop_gradient(z_q) - zn) ** 2)
    z_q = zn + jax.lax.stop_gradient(z_q - zn)
    # decode
    h2 = _blocks(z_q, dec_W, dec_b, dec_gamma, dec_beta, dec_mean, dec_var)
    xrec = _vq_head(h2, dec_vq_W1, dec_vq_b1, dec_vq_W2, dec_vq_b2)
    return (xrec, emb_loss)

if __name__ == "__main__":
    import jax
    _d = setup_inputs()
    print(jax.jit(kernel)(*tuple(_d.values())))

</pallas_src>

<mosaic_0001>
#map = affine_map<(d0, d1) -> (0, 0)>
module attributes {stable_mosaic.version = 14 : i64} {
  func.func @gather(%arg0: i32, %arg1: i32, %arg2: memref<4096x128xf32, #tpu.memory_space<hbm>>, %arg3: memref<32x512xi32, #tpu.memory_space<hbm>>, %arg4: memref<16384x128xf32, #tpu.memory_space<hbm>>, %arg5: memref<512xi32, #tpu.memory_space<vmem>>, %arg6: memref<512x128xf32, #tpu.memory_space<vmem>>, %arg7: memref<!tpu.dma_semaphore, #tpu.memory_space<semaphore_mem>>) attributes {dimension_semantics = [#tpu.dimension_semantics<core_parallel>, #tpu.dimension_semantics<subcore_parallel>], iteration_bounds = array<i64: 2, 16>, scalar_prefetch = 0 : i64, scratch_operands = 3 : i64, tpu.core_type = #tpu.core_type<sc_vector_subcore>, window_params = [{transform_indices = #map}, {transform_indices = #map}, {transform_indices = #map}]} {
    %mul3A = arith.constant 2 : i32
    %mul3A_0 = arith.muli %arg1, %mul3A : i32
    %add3A = arith.addi %mul3A_0, %arg0 : i32
    "tpu.region"() ({
      %run_scoped3A = tpu.sem_alloc : memref<!tpu.dma_semaphore, #tpu.memory_space<semaphore_mem>>
      %dma_start3A_65 = arith.constant 0 : i32
      %dma_start3A_66 = tpu.memref_slice %arg3[%add3A, %dma_start3A_65] : memref<32x512xi32, #tpu.memory_space<hbm>> -> memref<1x512xi32, #tpu.memory_space<hbm>>
      %dma_start3A_67 = tpu.memref_squeeze %dma_start3A_66 : memref<1x512xi32, #tpu.memory_space<hbm>> -> memref<512xi32, #tpu.memory_space<hbm>>
      %dma_start3A_68 = arith.constant 0 : i32
      %dma_start3A_69 = tpu.memref_slice %arg3[%add3A, %dma_start3A_68] : memref<32x512xi32, #tpu.memory_space<hbm>> -> memref<1x512xi32, #tpu.memory_space<hbm>>
      %dma_start3A_70 = tpu.memref_squeeze %dma_start3A_69 : memref<1x512xi32, #tpu.memory_space<hbm>> -> memref<512xi32, #tpu.memory_space<hbm>>
      tpu.enqueue_dma source(%dma_start3A_70 : memref<512xi32, #tpu.memory_space<hbm>>) target(%arg5 : memref<512xi32, #tpu.memory_space<vmem>>) target_semaphore(%run_scoped3A : memref<!tpu.dma_semaphore, #tpu.memory_space<semaphore_mem>>)
      %dma_wait3A_71 = arith.constant 0 : i32
      %dma_wait3A_72 = tpu.memref_slice %arg3[%add3A, %dma_wait3A_71] : memref<32x512xi32, #tpu.memory_space<hbm>> -> memref<1x512xi32, #tpu.memory_space<hbm>>
      %dma_wait3A_73 = tpu.memref_squeeze %dma_wait3A_72 : memref<1x512xi32, #tpu.memory_space<hbm>> -> memref<512xi32, #tpu.memory_space<hbm>>
      %dma_wait3A_74 = arith.constant 0 : i32
      %dma_wait3A_75 = tpu.memref_slice %arg3[%add3A, %dma_wait3A_74] : memref<32x512xi32, #tpu.memory_space<hbm>> -> memref<1x512xi32, #tpu.memory_space<hbm>>
      %dma_wait3A_76 = tpu.memref_squeeze %dma_wait3A_75 : memref<1x512xi32, #tpu.memory_space<hbm>> -> memref<512xi32, #tpu.memory_space<hbm>>
      tpu.wait_dma2 semaphore(%run_scoped3A : memref<!tpu.dma_semaphore, #tpu.memory_space<semaphore_mem>>) src(%dma_wait3A_76 : memref<512xi32, #tpu.memory_space<hbm>>) dst(%arg5 : memref<512xi32, #tpu.memory_space<vmem>>)
      tpu.yield
    }) : () -> ()
    %dma_start3A = arith.constant 0 : i32
    %dma_start3A_1 = arith.constant 0 : i32
    %dma_start3A_2 = tpu.memref_slice %arg6[%dma_start3A, %dma_start3A_1] : memref<512x128xf32, #tpu.memory_space<vmem>> -> memref<128x128xf32, #tpu.memory_space<vmem>>
    %dma_start3A_3 = arith.constant 0 : i32
    %dma_start3A_4 = tpu.memref_slice %arg5[%dma_start3A_3] : memref<512xi32, #tpu.memory_space<vmem>> -> memref<128xi32, #tpu.memory_space<vmem>>
    %dma_start3A_5 = arith.constant 0 : i32
    %dma_start3A_6 = arith.constant 0 : i32
    %dma_start3A_7 = tpu.memref_slice %arg2[%dma_start3A_5, %dma_start3A_6] : memref<4096x128xf32, #tpu.memory_space<hbm>> -> memref<4096x128xf32, #tpu.memory_space<hbm>>
    tpu.enqueue_indirect_dma source(%dma_start3A_7 : memref<4096x128xf32, #tpu.memory_space<hbm>>) target(%dma_start3A_2 : memref<128x128xf32, #tpu.memory_space<vmem>>) offsets(%dma_start3A_4 : memref<128xi32, #tpu.memory_space<vmem>>) semaphore(%arg7 : memref<!tpu.dma_semaphore, #tpu.memory_space<semaphore_mem>>)
    %dma_start3A_8 = arith.constant 128 : i32
    %dma_start3A_9 = arith.constant 0 : i32
    %dma_start3A_10 = tpu.memref_slice %arg6[%dma_start3A_8, %dma_start3A_9] : memref<512x128xf32, #tpu.memory_space<vmem>> -> memref<128x128xf32, #tpu.memory_space<vmem>>
    %dma_start3A_11 = arith.constant 128 : i32
    %dma_start3A_12 = tpu.memref_slice %arg5[%dma_start3A_11] : memref<512xi32, #tpu.memory_space<vmem>> -> memref<128xi32, #tpu.memory_space<vmem>>
    %dma_start3A_13 = arith.constant 0 : i32
    %dma_start3A_14 = arith.constant 0 : i32
    %dma_start3A_15 = tpu.memref_slice %arg2[%dma_start3A_13, %dma_start3A_14] : memref<4096x128xf32, #tpu.memory_space<hbm>> -> memref<4096x128xf32, #tpu.memory_space<hbm>>
    tpu.enqueue_indirect_dma source(%dma_start3A_15 : memref<4096x128xf32, #tpu.memory_space<hbm>>) target(%dma_start3A_10 : memref<128x128xf32, #tpu.memory_space<vmem>>) offsets(%dma_start3A_12 : memref<128xi32, #tpu.memory_space<vmem>>) semaphore(%arg7 : memref<!tpu.dma_semaphore, #tpu.memory_space<semaphore_mem>>)
    %dma_start3A_16 = arith.constant 256 : i32
    %dma_start3A_17 = arith.constant 0 : i32
    %dma_start3A_18 = tpu.memref_slice %arg6[%dma_start3A_16, %dma_start3A_17] : memref<512x128xf32, #tpu.memory_space<vmem>> -> memref<128x128xf32, #tpu.memory_space<vmem>>
    %dma_start3A_19 = arith.constant 256 : i32
    %dma_start3A_20 = tpu.memref_slice %arg5[%dma_start3A_19] : memref<512xi32, #tpu.memory_space<vmem>> -> memref<128xi32, #tpu.memory_space<vmem>>
    %dma_start3A_21 = arith.constant 0 : i32
    %dma_start3A_22 = arith.constant 0 : i32
    %dma_start3A_23 = tpu.memref_slice %arg2[%dma_start3A_21, %dma_start3A_22] : memref<4096x128xf32, #tpu.memory_space<hbm>> -> memref<4096x128xf32, #tpu.memory_space<hbm>>
    tpu.enqueue_indirect_dma source(%dma_start3A_23 : memref<4096x128xf32, #tpu.memory_space<hbm>>) target(%dma_start3A_18 : memref<128x128xf32, #tpu.memory_space<vmem>>) offsets(%dma_start3A_20 : memref<128xi32, #tpu.memory_space<vmem>>) semaphore(%arg7 : memref<!tpu.dma_semaphore, #tpu.memory_space<semaphore_mem>>)
    %dma_start3A_24 = arith.constant 384 : i32
    %dma_start3A_25 = arith.constant 0 : i32
    %dma_start3A_26 = tpu.memref_slice %arg6[%dma_start3A_24, %dma_start3A_25] : memref<512x128xf32, #tpu.memory_space<vmem>> -> memref<128x128xf32, #tpu.memory_space<vmem>>
    %dma_start3A_27 = arith.constant 384 : i32
    %dma_start3A_28 = tpu.memref_slice %arg5[%dma_start3A_27] : memref<512xi32, #tpu.memory_space<vmem>> -> memref<128xi32, #tpu.memory_space<vmem>>
    %dma_start3A_29 = arith.constant 0 : i32
    %dma_start3A_30 = arith.constant 0 : i32
    %dma_start3A_31 = tpu.memref_slice %arg2[%dma_start3A_29, %dma_start3A_30] : memref<4096x128xf32, #tpu.memory_space<hbm>> -> memref<4096x128xf32, #tpu.memory_space<hbm>>
    tpu.enqueue_indirect_dma source(%dma_start3A_31 : memref<4096x128xf32, #tpu.memory_space<hbm>>) target(%dma_start3A_26 : memref<128x128xf32, #tpu.memory_space<vmem>>) offsets(%dma_start3A_28 : memref<128xi32, #tpu.memory_space<vmem>>) semaphore(%arg7 : memref<!tpu.dma_semaphore, #tpu.memory_space<semaphore_mem>>)
    %dma_wait3A = arith.constant 0 : i32
    %dma_wait3A_32 = arith.constant 0 : i32
    %dma_wait3A_33 = tpu.memref_slice %arg6[%dma_wait3A, %dma_wait3A_32] : memref<512x128xf32, #tpu.memory_space<vmem>> -> memref<128x128xf32, #tpu.memory_space<vmem>>
    %dma_wait3A_34 = arith.constant 0 : i32
    %dma_wait3A_35 = tpu.memref_slice %arg5[%dma_wait3A_34] : memref<512xi32, #tpu.memory_space<vmem>> -> memref<128xi32, #tpu.memory_space<vmem>>
    %dma_wait3A_36 = arith.constant 0 : i32
    %dma_wait3A_37 = arith.constant 0 : i32
    %dma_wait3A_38 = tpu.memref_slice %arg2[%dma_wait3A_36, %dma_wait3A_37] : memref<4096x128xf32, #tpu.memory_space<hbm>> -> memref<4096x128xf32, #tpu.memory_space<hbm>>
    tpu.wait_indirect_dma semaphore(%arg7 : memref<!tpu.dma_semaphore, #tpu.memory_space<semaphore_mem>>) src(%dma_wait3A_38 : memref<4096x128xf32, #tpu.memory_space<hbm>>) dst(%dma_wait3A_33 : memref<128x128xf32, #tpu.memory_space<vmem>>)
    %dma_wait3A_39 = arith.constant 128 : i32
    %dma_wait3A_40 = arith.constant 0 : i32
    %dma_wait3A_41 = tpu.memref_slice %arg6[%dma_wait3A_39, %dma_wait3A_40] : memref<512x128xf32, #tpu.memory_space<vmem>> -> memref<128x128xf32, #tpu.memory_space<vmem>>
    %dma_wait3A_42 = arith.constant 128 : i32
    %dma_wait3A_43 = tpu.memref_slice %arg5[%dma_wait3A_42] : memref<512xi32, #tpu.memory_space<vmem>> -> memref<128xi32, #tpu.memory_space<vmem>>
    %dma_wait3A_44 = arith.constant 0 : i32
    %dma_wait3A_45 = arith.constant 0 : i32
    %dma_wait3A_46 = tpu.memref_slice %arg2[%dma_wait3A_44, %dma_wait3A_45] : memref<4096x128xf32, #tpu.memory_space<hbm>> -> memref<4096x128xf32, #tpu.memory_space<hbm>>
    tpu.wait_indirect_dma semaphore(%arg7 : memref<!tpu.dma_semaphore, #tpu.memory_space<semaphore_mem>>) src(%dma_wait3A_46 : memref<4096x128xf32, #tpu.memory_space<hbm>>) dst(%dma_wait3A_41 : memref<128x128xf32, #tpu.memory_space<vmem>>)
    %dma_wait3A_47 = arith.constant 256 : i32
    %dma_wait3A_48 = arith.constant 0 : i32
    %dma_wait3A_49 = tpu.memref_slice %arg6[%dma_wait3A_47, %dma_wait3A_48] : memref<512x128xf32, #tpu.memory_space<vmem>> -> memref<128x128xf32, #tpu.memory_space<vmem>>
    %dma_wait3A_50 = arith.constant 256 : i32
    %dma_wait3A_51 = tpu.memref_slice %arg5[%dma_wait3A_50] : memref<512xi32, #tpu.memory_space<vmem>> -> memref<128xi32, #tpu.memory_space<vmem>>
    %dma_wait3A_52 = arith.constant 0 : i32
    %dma_wait3A_53 = arith.constant 0 : i32
    %dma_wait3A_54 = tpu.memref_slice %arg2[%dma_wait3A_52, %dma_wait3A_53] : memref<4096x128xf32, #tpu.memory_space<hbm>> -> memref<4096x128xf32, #tpu.memory_space<hbm>>
    tpu.wait_indirect_dma semaphore(%arg7 : memref<!tpu.dma_semaphore, #tpu.memory_space<semaphore_mem>>) src(%dma_wait3A_54 : memref<4096x128xf32, #tpu.memory_space<hbm>>) dst(%dma_wait3A_49 : memref<128x128xf32, #tpu.memory_space<vmem>>)
    %dma_wait3A_55 = arith.constant 384 : i32
    %dma_wait3A_56 = arith.constant 0 : i32
    %dma_wait3A_57 = tpu.memref_slice %arg6[%dma_wait3A_55, %dma_wait3A_56] : memref<512x128xf32, #tpu.memory_space<vmem>> -> memref<128x128xf32, #tpu.memory_space<vmem>>
    %dma_wait3A_58 = arith.constant 384 : i32
    %dma_wait3A_59 = tpu.memref_slice %arg5[%dma_wait3A_58] : memref<512xi32, #tpu.memory_space<vmem>> -> memref<128xi32, #tpu.memory_space<vmem>>
    %dma_wait3A_60 = arith.constant 0 : i32
    %dma_wait3A_61 = arith.constant 0 : i32
    %dma_wait3A_62 = tpu.memref_slice %arg2[%dma_wait3A_60, %dma_wait3A_61] : memref<4096x128xf32, #tpu.memory_space<hbm>> -> memref<4096x128xf32, #tpu.memory_space<hbm>>
    tpu.wait_indirect_dma semaphore(%arg7 : memref<!tpu.dma_semaphore, #tpu.memory_space<semaphore_mem>>) src(%dma_wait3A_62 : memref<4096x128xf32, #tpu.memory_space<hbm>>) dst(%dma_wait3A_57 : memref<128x128xf32, #tpu.memory_space<vmem>>)
    %mul3A_63 = arith.constant 512 : i32
    %mul3A_64 = arith.muli %add3A, %mul3A_63 : i32
    "tpu.region"() ({
      %run_scoped3A = tpu.sem_alloc : memref<!tpu.dma_semaphore, #tpu.memory_space<semaphore_mem>>
      %dma_start3A_65 = arith.constant 0 : i32
      %dma_start3A_66 = tpu.memref_slice %arg4[%mul3A_64, %dma_start3A_65] : memref<16384x128xf32, #tpu.memory_space<hbm>> -> memref<512x128xf32, #tpu.memory_space<hbm>>
      %dma_start3A_67 = arith.constant 0 : i32
      %dma_start3A_68 = tpu.memref_slice %arg4[%mul3A_64, %dma_start3A_67] : memref<16384x128xf32, #tpu.memory_space<hbm>> -> memref<512x128xf32, #tpu.memory_space<hbm>>
      tpu.enqueue_dma source(%arg6 : memref<512x128xf32, #tpu.memory_space<vmem>>) target(%dma_start3A_68 : memref<512x128xf32, #tpu.memory_space<hbm>>) target_semaphore(%run_scoped3A : memref<!tpu.dma_semaphore, #tpu.memory_space<semaphore_mem>>)
      %dma_wait3A_69 = arith.constant 0 : i32
      %dma_wait3A_70 = tpu.memref_slice %arg4[%mul3A_64, %dma_wait3A_69] : memref<16384x128xf32, #tpu.memory_space<hbm>> -> memref<512x128xf32, #tpu.memory_space<hbm>>
      %dma_wait3A_71 = arith.constant 0 : i32
      %dma_wait3A_72 = tpu.memref_slice %arg4[%mul3A_64, %dma_wait3A_71] : memref<16384x128xf32, #tpu.memory_space<hbm>> -> memref<512x128xf32, #tpu.memory_space<hbm>>
      tpu.wait_dma2 semaphore(%run_scoped3A : memref<!tpu.dma_semaphore, #tpu.memory_space<semaphore_mem>>) src(%arg6 : memref<512x128xf32, #tpu.memory_space<vmem>>) dst(%dma_wait3A_72 : memref<512x128xf32, #tpu.memory_space<hbm>>)
      tpu.yield
    }) : () -> ()
    return
  }
}

module attributes {stable_mosaic.version = 14 : i64} {
  func.func @_enc_kernel(%arg0: i32, %arg1: memref<256x64xf32, #tpu.memory_space<vmem>>, %arg2: memref<2x64x64xf32, #tpu.memory_space<vmem>>, %arg3: memref<2x1x64xf32, #tpu.memory_space<vmem>>, %arg4: memref<2x1x64xf32, #tpu.memory_space<vmem>>, %arg5: memref<2x1x64xf32, #tpu.memory_space<vmem>>, %arg6: memref<2x1x64xf32, #tpu.memory_space<vmem>>, %arg7: memref<2x1x64xf32, #tpu.memory_space<vmem>>, %arg8: memref<64x64xf32, #tpu.memory_space<vmem>>, %arg9: memref<1x64xf32, #tpu.memory_space<vmem>>, %arg10: memref<64x64xf32, #tpu.memory_space<vmem>>, %arg11: memref<1x64xf32, #tpu.memory_space<vmem>>, %arg12: memref<256x64xf32, #tpu.memory_space<vmem>>) attributes {dimension_semantics = [#tpu.dimension_semantics<arbitrary>], iteration_bounds = array<i64: 64>, scalar_prefetch = 0 : i64, scratch_operands = 0 : i64, tpu.core_type = #tpu.core_type<tc>, window_params = [{transform_indices = @transform_0, window_bounds = array<i64: 256, 64>}, {pipeline_mode = #tpu.pipeline_mode<synchronous>, transform_indices = @transform_1, window_bounds = array<i64: 2, 64, 64>}, {pipeline_mode = #tpu.pipeline_mode<synchronous>, transform_indices = @transform_2, window_bounds = array<i64: 2, 1, 64>}, {pipeline_mode = #tpu.pipeline_mode<synchronous>, transform_indices = @transform_3, window_bounds = array<i64: 2, 1, 64>}, {pipeline_mode = #tpu.pipeline_mode<synchronous>, transform_indices = @transform_4, window_bounds = array<i64: 2, 1, 64>}, {pipeline_mode = #tpu.pipeline_mode<synchronous>, transform_indices = @transform_5, window_bounds = array<i64: 2, 1, 64>}, {pipeline_mode = #tpu.pipeline_mode<synchronous>, transform_indices = @transform_6, window_bounds = array<i64: 2, 1, 64>}, {pipeline_mode = #tpu.pipeline_mode<synchronous>, transform_indices = @transform_7, window_bounds = array<i64: 64, 64>}, {pipeline_mode = #tpu.pipeline_mode<synchronous>, transform_indices = @transform_8, window_bounds = array<i64: 1, 64>}, {pipeline_mode = #tpu.pipeline_mode<synchronous>, transform_indices = @transform_9, window_bounds = array<i64: 64, 64>}, {pipeline_mode = #tpu.pipeline_mode<synchronous>, transform_indices = @transform_10, window_bounds = array<i64: 1, 64>}, {transform_indices = @transform_11, window_bounds = array<i64: 256, 64>}]} {
    %get3A = arith.constant 0 : index
    %get3A_0 = arith.constant 0 : index
    %get3A_1 = vector.load %arg1[%get3A, %get3A_0] : memref<256x64xf32, #tpu.memory_space<vmem>>, vector<256x64xf32>
    %get3A_2 = arith.constant 0 : index
    %get3A_3 = arith.constant 0 : index
    %get3A_4 = arith.constant 0 : index
    %get3A_5 = vector.load %arg2[%get3A_2, %get3A_3, %get3A_4] : memref<2x64x64xf32, #tpu.memory_space<vmem>>, vector<1x64x64xf32>
    %get3A_6 = vector.shape_cast %get3A_5 : vector<1x64x64xf32> to vector<64x64xf32>
    %dot_general3A = arith.constant dense<0.000000e+00> : vector<256x64xf32>
    %dot_general3A_7 = tpu.matmul %get3A_1, %get3A_6, %dot_general3A {dimension_numbers = #tpu.dot_dimension_numbers<[1], [0], [0], [1], [0, 0, 1, 1], [], []>, transpose_lhs_hint = false} : vector<256x64xf32>, vector<64x64xf32>, vector<256x64xf32> -> vector<256x64xf32>
    %get3A_8 = arith.constant 0 : index
    %get3A_9 = arith.constant 0 : index
    %get3A_10 = arith.constant 0 : index
    %get3A_11 = vector.load %arg3[%get3A_8, %get3A_9, %get3A_10] : memref<2x1x64xf32, #tpu.memory_space<vmem>>, vector<1x1x64xf32>
    %get3A_12 = vector.shape_cast %get3A_11 : vector<1x1x64xf32> to vector<1x64xf32>
    %add3A = vector.broadcast %get3A_12 : vector<1x64xf32> to vector<256x64xf32>
    %add3A_13 = arith.addf %dot_general3A_7, %add3A : vector<256x64xf32>
    %get3A_14 = arith.constant 0 : index
    %get3A_15 = arith.constant 0 : index
    %get3A_16 = arith.constant 0 : index
    %get3A_17 = vector.load %arg4[%get3A_14, %get3A_15, %get3A_16] : memref<2x1x64xf32, #tpu.memory_space<vmem>>, vector<1x1x64xf32>
    %get3A_18 = vector.shape_cast %get3A_17 : vector<1x1x64xf32> to vector<1x64xf32>
    %get3A_19 = arith.constant 0 : index
    %get3A_20 = arith.constant 0 : index
    %get3A_21 = arith.constant 0 : index
    %get3A_22 = vector.load %arg6[%get3A_19, %get3A_20, %get3A_21] : memref<2x1x64xf32, #tpu.memory_space<vmem>>, vector<1x1x64xf32>
    %get3A_23 = vector.shape_cast %get3A_22 : vector<1x1x64xf32> to vector<1x64xf32>
    %sub3A = vector.broadcast %get3A_23 : vector<1x64xf32> to vector<256x64xf32>
    %sub3A_24 = arith.subf %add3A_13, %sub3A : vector<256x64xf32>
    %mul3A = vector.broadcast %get3A_18 : vector<1x64xf32> to vector<256x64xf32>
    %mul3A_25 = arith.mulf %mul3A, %sub3A_24 : vector<256x64xf32>
    %get3A_26 = arith.constant 0 : index
    %get3A_27 = arith.constant 0 : index
    %get3A_28 = arith.constant 0 : index
    %get3A_29 = vector.load %arg7[%get3A_26, %get3A_27, %get3A_28] : memref<2x1x64xf32, #tpu.memory_space<vmem>>, vector<1x1x64xf32>
    %get3A_30 = vector.shape_cast %get3A_29 : vector<1x1x64xf32> to vector<1x64xf32>
    %add3A_31 = arith.constant 9.99999974E-6 : f32
    %add3A_32 = vector.broadcast %add3A_31 : f32 to vector<1x64xf32>
    %add3A_33 = arith.addf %get3A_30, %add3A_32 : vector<1x64xf32>
    %sqrt3A = math.sqrt %add3A_33 : vector<1x64xf32>
    %div3A = vector.broadcast %sqrt3A : vector<1x64xf32> to vector<256x64xf32>
    %div3A_34 = arith.divf %mul3A_25, %div3A : vector<256x64xf32>
    %get3A_35 = arith.constant 0 : index
    %get3A_36 = arith.constant 0 : index
    %get3A_37 = arith.constant 0 : index
    %get3A_38 = vector.load %arg5[%get3A_35, %get3A_36, %get3A_37] : memref<2x1x64xf32, #tpu.memory_space<vmem>>, vector<1x1x64xf32>
    %get3A_39 = vector.shape_cast %get3A_38 : vector<1x1x64xf32> to vector<1x64xf32>
    %add3A_40 = vector.broadcast %get3A_39 : vector<1x64xf32> to vector<256x64xf32>
    %add3A_41 = arith.addf %div3A_34, %add3A_40 : vector<256x64xf32>
    %max3A = arith.constant 0.000000e+00 : f32
    %max3A_42 = vector.broadcast %max3A : f32 to vector<256x64xf32>
    %max3A_43 = arith.maximumf %add3A_41, %max3A_42 : vector<256x64xf32>
    %get3A_44 = arith.constant 1 : index
    %get3A_45 = arith.constant 0 : index
    %get3A_46 = arith.constant 0 : index
    %get3A_47 = vector.load %arg2[%get3A_44, %get3A_45, %get3A_46] : memref<2x64x64xf32, #tpu.memory_space<vmem>>, vector<1x64x64xf32>
    %get3A_48 = vector.shape_cast %get3A_47 : vector<1x64x64xf32> to vector<64x64xf32>
    %dot_general3A_49 = arith.constant dense<0.000000e+00> : vector<256x64xf32>
    %dot_general3A_50 = tpu.matmul %max3A_43, %get3A_48, %dot_general3A_49 {dimension_numbers = #tpu.dot_dimension_numbers<[1], [0], [0], [1], [0, 0, 1, 1], [], []>, transpose_lhs_hint = false} : vector<256x64xf32>, vector<64x64xf32>, vector<256x64xf32> -> vector<256x64xf32>
    %get3A_51 = arith.constant 1 : index
    %get3A_52 = arith.constant 0 : index
    %get3A_53 = arith.constant 0 : index
    %get3A_54 = vector.load %arg3[%get3A_51, %get3A_52, %get3A_53] : memref<2x1x64xf32, #tpu.memory_space<vmem>>, vector<1x1x64xf32>
    %get3A_55 = vector.shape_cast %get3A_54 : vector<1x1x64xf32> to vector<1x64xf32>
    %add3A_56 = vector.broadcast %get3A_55 : vector<1x64xf32> to vector<256x64xf32>
    %add3A_57 = arith.addf %dot_general3A_50, %add3A_56 : vector<256x64xf32>
    %get3A_58 = arith.constant 1 : index
    %get3A_59 = arith.constant 0 : index
    %get3A_60 = arith.constant 0 : index
    %get3A_61 = vector.load %arg4[%get3A_58, %get3A_59, %get3A_60] : memref<2x1x64xf32, #tpu.memory_space<vmem>>, vector<1x1x64xf32>
    %get3A_62 = vector.shape_cast %get3A_61 : vector<1x1x64xf32> to vector<1x64xf32>
    %get3A_63 = arith.constant 1 : index
    %get3A_64 = arith.constant 0 : index
    %get3A_65 = arith.constant 0 : index
    %get3A_66 = vector.load %arg6[%get3A_63, %get3A_64, %get3A_65] : memref<2x1x64xf32, #tpu.memory_space<vmem>>, vector<1x1x64xf32>
    %get3A_67 = vector.shape_cast %get3A_66 : vector<1x1x64xf32> to vector<1x64xf32>
    %sub3A_68 = vector.broadcast %get3A_67 : vector<1x64xf32> to vector<256x64xf32>
    %sub3A_69 = arith.subf %add3A_57, %sub3A_68 : vector<256x64xf32>
    %mul3A_70 = vector.broadcast %get3A_62 : vector<1x64xf32> to vector<256x64xf32>
    %mul3A_71 = arith.mulf %mul3A_70, %sub3A_69 : vector<256x64xf32>
    %get3A_72 = arith.constant 1 : index
    %get3A_73 = arith.constant 0 : index
    %get3A_74 = arith.constant 0 : index
    %get3A_75 = vector.load %arg7[%get3A_72, %get3A_73, %get3A_74] : memref<2x1x64xf32, #tpu.memory_space<vmem>>, vector<1x1x64xf32>
    %get3A_76 = vector.shape_cast %get3A_75 : vector<1x1x64xf32> to vector<1x64xf32>
    %add3A_77 = arith.constant 9.99999974E-6 : f32
    %add3A_78 = vector.broadcast %add3A_77 : f32 to vector<1x64xf32>
    %add3A_79 = arith.addf %get3A_76, %add3A_78 : vector<1x64xf32>
    %sqrt3A_80 = math.sqrt %add3A_79 : vector<1x64xf32>
    %div3A_81 = vector.broadcast %sqrt3A_80 : vector<1x64xf32> to vector<256x64xf32>
    %div3A_82 = arith.divf %mul3A_71, %div3A_81 : vector<256x64xf32>
    %get3A_83 = arith.constant 1 : index
    %get3A_84 = arith.constant 0 : index
    %get3A_85 = arith.constant 0 : index
    %get3A_86 = vector.load %arg5[%get3A_83, %get3A_84, %get3A_85] : memref<2x1x64xf32, #tpu.memory_space<vmem>>, vector<1x1x64xf32>
    %get3A_87 = vector.shape_cast %get3A_86 : vector<1x1x64xf32> to vector<1x64xf32>
    %add3A_88 = vector.broadcast %get3A_87 : vector<1x64xf32> to vector<256x64xf32>
    %add3A_89 = arith.addf %div3A_82, %add3A_88 : vector<256x64xf32>
    %max3A_90 = arith.constant 0.000000e+00 : f32
    %max3A_91 = vector.broadcast %max3A_90 : f32 to vector<256x64xf32>
    %max3A_92 = arith.maximumf %add3A_89, %max3A_91 : vector<256x64xf32>
    %get3A_93 = arith.constant 0 : index
    %get3A_94 = arith.constant 0 : index
    %get3A_95 = vector.load %arg8[%get3A_93, %get3A_94] : memref<64x64xf32, #tpu.memory_space<vmem>>, vector<64x64xf32>
    %get3A_96 = arith.constant 0 : index
    %get3A_97 = arith.constant 0 : index
    %get3A_98 = vector.load %arg9[%get3A_96, %get3A_97] : memref<1x64xf32, #tpu.memory_space<vmem>>, vector<1x64xf32>
    %get3A_99 = arith.constant 0 : index
    %get3A_100 = arith.constant 0 : index
    %get3A_101 = vector.load %arg10[%get3A_99, %get3A_100] : memref<64x64xf32, #tpu.memory_space<vmem>>, vector<64x64xf32>
    %get3A_102 = arith.constant 0 : index
    %get3A_103 = arith.constant 0 : index
    %get3A_104 = vector.load %arg11[%get3A_102, %get3A_103] : memref<1x64xf32, #tpu.memory_space<vmem>>, vector<1x64xf32>
    %transpose3A = tpu.transpose %get3A_95, [1, 0] : vector<64x64xf32> -> vector<64x64xf32>
    %dot_general3A_105 = arith.constant dense<0.000000e+00> : vector<256x64xf32>
    %dot_general3A_106 = tpu.matmul %max3A_92, %transpose3A, %dot_general3A_105 {dimension_numbers = #tpu.dot_dimension_numbers<[1], [0], [0], [1], [0, 0, 1, 1], [], []>, transpose_lhs_hint = false} : vector<256x64xf32>, vector<64x64xf32>, vector<256x64xf32> -> vector<256x64xf32>
    %add3A_107 = vector.broadcast %get3A_98 : vector<1x64xf32> to vector<256x64xf32>
    %add3A_108 = arith.addf %dot_general3A_106, %add3A_107 : vector<256x64xf32>
    %tanh3A = math.tanh %add3A_108 : vector<256x64xf32>
    %transpose3A_109 = tpu.transpose %get3A_101, [1, 0] : vector<64x64xf32> -> vector<64x64xf32>
    %dot_general3A_110 = arith.constant dense<0.000000e+00> : vector<256x64xf32>
    %dot_general3A_111 = tpu.matmul %tanh3A, %transpose3A_109, %dot_general3A_110 {dimension_numbers = #tpu.dot_dimension_numbers<[1], [0], [0], [1], [0, 0, 1, 1], [], []>, transpose_lhs_hint = false} : vector<256x64xf32>, vector<64x64xf32>, vector<256x64xf32> -> vector<256x64xf32>
    %add3A_112 = vector.broadcast %get3A_104 : vector<1x64xf32> to vector<256x64xf32>
    %add3A_113 = arith.addf %dot_general3A_111, %add3A_112 : vector<256x64xf32>
    %swap3A = arith.constant 0 : index
    %swap3A_114 = arith.constant 0 : index
    %swap3A_115 = vector.load %arg12[%swap3A, %swap3A_114] : memref<256x64xf32, #tpu.memory_space<vmem>>, vector<256x64xf32>
    tpu.vector_store %arg12[%swap3A, %swap3A_114], %add3A_113 {strides = array<i32>} : memref<256x64xf32, #tpu.memory_space<vmem>>, vector<256x64xf32>,
    return
  }
  func.func @transform_0(%arg0: i32) -> (i32, i32) {
    %c0_i32 = arith.constant 0 : i32
    %c0_i32_0 = arith.constant 0 : i32
    return %arg0, %c0_i32 : i32, i32
  }
  func.func @transform_1(%arg0: i32) -> (i32, i32, i32) {
    %c0_i32 = arith.constant 0 : i32
    %c0_i32_0 = arith.constant 0 : i32
    %c0_i32_1 = arith.constant 0 : i32
    %c0_i32_2 = arith.constant 0 : i32
    return %c0_i32, %c0_i32_0, %c0_i32_1 : i32, i32, i32
  }
  func.func @transform_2(%arg0: i32) -> (i32, i32, i32) {
    %c0_i32 = arith.constant 0 : i32
    %c0_i32_0 = arith.constant 0 : i32
    %c0_i32_1 = arith.constant 0 : i32
    %c0_i32_2 = arith.constant 0 : i32
    return %c0_i32, %c0_i32_0, %c0_i32_1 : i32, i32, i32
  }
  func.func @transform_3(%arg0: i32) -> (i32, i32, i32) {
    %c0_i32 = arith.constant 0 : i32
    %c0_i32_0 = arith.constant 0 : i32
    %c0_i32_1 = arith.constant 0 : i32
    %c0_i32_2 = arith.constant 0 : i32
    return %c0_i32, %c0_i32_0, %c0_i32_1 : i32, i32, i32
  }
  func.func @transform_4(%arg0: i32) -> (i32, i32, i32) {
    %c0_i32 = arith.constant 0 : i32
    %c0_i32_0 = arith.constant 0 : i32
    %c0_i32_1 = arith.constant 0 : i32
    %c0_i32_2 = arith.constant 0 : i32
    return %c0_i32, %c0_i32_0, %c0_i32_1 : i32, i32, i32
  }
  func.func @transform_5(%arg0: i32) -> (i32, i32, i32) {
    %c0_i32 = arith.constant 0 : i32
    %c0_i32_0 = arith.constant 0 : i32
    %c0_i32_1 = arith.constant 0 : i32
    %c0_i32_2 = arith.constant 0 : i32
    return %c0_i32, %c0_i32_0, %c0_i32_1 : i32, i32, i32
  }
  func.func @transform_6(%arg0: i32) -> (i32, i32, i32) {
    %c0_i32 = arith.constant 0 : i32
    %c0_i32_0 = arith.constant 0 : i32
    %c0_i32_1 = arith.constant 0 : i32
    %c0_i32_2 = arith.constant 0 : i32
    return %c0_i32, %c0_i32_0, %c0_i32_1 : i32, i32, i32
  }
  func.func @transform_7(%arg0: i32) -> (i32, i32) {
    %c0_i32 = arith.constant 0 : i32
    %c0_i32_0 = arith.constant 0 : i32
    %c0_i32_1 = arith.constant 0 : i32
    return %c0_i32, %c0_i32_0 : i32, i32
  }
  func.func @transform_8(%arg0: i32) -> (i32, i32) {
    %c0_i32 = arith.constant 0 : i32
    %c0_i32_0 = arith.constant 0 : i32
    %c0_i32_1 = arith.constant 0 : i32
    return %c0_i32, %c0_i32_0 : i32, i32
  }
  func.func @transform_9(%arg0: i32) -> (i32, i32) {
    %c0_i32 = arith.constant 0 : i32
    %c0_i32_0 = arith.constant 0 : i32
    %c0_i32_1 = arith.constant 0 : i32
    return %c0_i32, %c0_i32_0 : i32, i32
  }
  func.func @transform_10(%arg0: i32) -> (i32, i32) {
    %c0_i32 = arith.constant 0 : i32
    %c0_i32_0 = arith.constant 0 : i32
    %c0_i32_1 = arith.constant 0 : i32
    return %c0_i32, %c0_i32_0 : i32, i32
  }
  func.func @transform_11(%arg0: i32) -> (i32, i32) {
    %c0_i32 = arith.constant 0 : i32
    %c0_i32_0 = arith.constant 0 : i32
    return %arg0, %c0_i32 : i32, i32
  }
}

module attributes {stable_mosaic.version = 14 : i64} {
  func.func @_argmin_kernel(%arg0: i32, %arg1: memref<64x256xf32, #tpu.memory_space<vmem>>, %arg2: memref<8x256xf32, #tpu.memory_space<vmem>>, %arg3: memref<8192x64xf32, #tpu.memory_space<vmem>>, %arg4: memref<8192x1xf32, #tpu.memory_space<vmem>>, %arg5: memref<8x256xi32, #tpu.memory_space<vmem>>) attributes {dimension_semantics = [#tpu.dimension_semantics<arbitrary>], iteration_bounds = array<i64: 64>, scalar_prefetch = 0 : i64, scratch_operands = 0 : i64, tpu.core_type = #tpu.core_type<tc>, window_params = [{transform_indices = @transform_0, window_bounds = array<i64: 64, 256>}, {transform_indices = @transform_1, window_bounds = array<i64: 8, 256>}, {pipeline_mode = #tpu.pipeline_mode<synchronous>, transform_indices = @transform_2, window_bounds = array<i64: 8192, 64>}, {pipeline_mode = #tpu.pipeline_mode<synchronous>, transform_indices = @transform_3, window_bounds = array<i64: 8192, 1>}, {transform_indices = @transform_4, window_bounds = array<i64: 8, 256>}]} {
    %get3A = arith.constant 0 : index
    %get3A_0 = arith.constant 0 : index
    %get3A_1 = vector.load %arg3[%get3A, %get3A_0] : memref<8192x64xf32, #tpu.memory_space<vmem>>, vector<8192x64xf32>
    %get3A_2 = arith.constant 0 : index
    %get3A_3 = arith.constant 0 : index
    %get3A_4 = vector.load %arg1[%get3A_2, %get3A_3] : memref<64x256xf32, #tpu.memory_space<vmem>>, vector<64x256xf32>
    %mul3A = arith.constant 2.000000e+00 : f32
    %mul3A_5 = vector.broadcast %mul3A : f32 to vector<64x256xf32>
    %mul3A_6 = arith.mulf %mul3A_5, %get3A_4 : vector<64x256xf32>
    %dot_general3A = arith.constant dense<0.000000e+00> : vector<8192x256xf32>
    %dot_general3A_7 = tpu.matmul %get3A_1, %mul3A_6, %dot_general3A {dimension_numbers = #tpu.dot_dimension_numbers<[1], [0], [0], [1], [0, 0, 1, 1], [], []>, transpose_lhs_hint = false} : vector<8192x64xf32>, vector<64x256xf32>, vector<8192x256xf32> -> vector<8192x256xf32>
    %get3A_8 = arith.constant 0 : index
    %get3A_9 = arith.constant 0 : index
    %get3A_10 = vector.load %arg2[%get3A_8, %get3A_9] : memref<8x256xf32, #tpu.memory_space<vmem>>, vector<1x256xf32>
    %get3A_11 = arith.constant 0 : index
    %get3A_12 = arith.constant 0 : index
    %get3A_13 = vector.load %arg4[%get3A_11, %get3A_12] : memref<8192x1xf32, #tpu.memory_space<vmem>>, vector<8192x1xf32>
    %add3A = vector.broadcast %get3A_10 : vector<1x256xf32> to vector<8192x256xf32>
    %add3A_14 = vector.broadcast %get3A_13 : vector<8192x1xf32> to vector<8192x256xf32>
    %add3A_15 = arith.addf %add3A, %add3A_14 : vector<8192x256xf32>
    %sub3A = arith.subf %add3A_15, %dot_general3A_7 : vector<8192x256xf32>
    %reduce_min3A = arith.constant dense<0x7F800000> : vector<256xf32>
    %reduce_min3A_16 = vector.multi_reduction <minimumf>, %sub3A, %reduce_min3A [0] : vector<8192x256xf32> to vector<256xf32>
    %broadcast_in_dim3A = vector.shape_cast %reduce_min3A_16 : vector<256xf32> to vector<1x256xf32>
    %iota3A = tpu.iota {dimensions = array<i32: 0>} : vector<8192x256xi32>
    %eq3A = vector.broadcast %broadcast_in_dim3A : vector<1x256xf32> to vector<8192x256xf32>
    %eq3A_17 = arith.cmpf oeq, %sub3A, %eq3A : vector<8192x256xf32>
    %jit3A = arith.constant 8192 : i32
    %broadcast_in_dim3A_18 = vector.broadcast %jit3A : i32 to vector<8192x256xi32>
    %select_n3A = arith.select %eq3A_17, %iota3A, %broadcast_in_dim3A_18 : vector<8192x256xi1>, vector<8192x256xi32>
    %reduce_min3A_19 = arith.constant dense<2147483647> : vector<256xi32>
    %reduce_min3A_20 = vector.multi_reduction <minsi>, %select_n3A, %reduce_min3A_19 [0] : vector<8192x256xi32> to vector<256xi32>
    %broadcast_in_dim3A_21 = vector.shape_cast %reduce_min3A_20 : vector<256xi32> to vector<1x256xi32>
    %broadcast_in_dim3A_22 = vector.shape_cast %broadcast_in_dim3A_21 : vector<1x256xi32> to vector<1x256xi32>
    %broadcast_in_dim3A_23 = vector.broadcast %broadcast_in_dim3A_22 : vector<1x256xi32> to vector<8x256xi32>
    %swap3A = arith.constant 0 : index
    %swap3A_24 = arith.constant 0 : index
    %swap3A_25 = vector.load %arg5[%swap3A, %swap3A_24] : memref<8x256xi32, #tpu.memory_space<vmem>>, vector<8x256xi32>
    tpu.vector_store %arg5[%swap3A, %swap3A_24], %broadcast_in_dim3A_23 {strides = array<i32>} : memref<8x256xi32, #tpu.memory_space<vmem>>, vector<8x256xi32>,
    return
  }
  func.func @transform_0(%arg0: i32) -> (i32, i32) {
    %c0_i32 = arith.constant 0 : i32
    %c0_i32_0 = arith.constant 0 : i32
    return %c0_i32, %arg0 : i32, i32
  }
  func.func @transform_1(%arg0: i32) -> (i32, i32) {
    %c0_i32 = arith.constant 0 : i32
    %c0_i32_0 = arith.constant 0 : i32
    return %c0_i32, %arg0 : i32, i32
  }
  func.func @transform_2(%arg0: i32) -> (i32, i32) {
    %c0_i32 = arith.constant 0 : i32
    %c0_i32_0 = arith.constant 0 : i32
    %c0_i32_1 = arith.constant 0 : i32
    return %c0_i32, %c0_i32_0 : i32, i32
  }
  func.func @transform_3(%arg0: i32) -> (i32, i32) {
    %c0_i32 = arith.constant 0 : i32
    %c0_i32_0 = arith.constant 0 : i32
    %c0_i32_1 = arith.constant 0 : i32
    return %c0_i32, %c0_i32_0 : i32, i32
  }
  func.func @transform_4(%arg0: i32) -> (i32, i32) {
    %c0_i32 = arith.constant 0 : i32
    %c0_i32_0 = arith.constant 0 : i32
    return %c0_i32, %arg0 : i32, i32
  }
}

module attributes {stable_mosaic.version = 14 : i64} {
  func.func @_dec_kernel(%arg0: i32, %arg1: memref<256x64xf32, #tpu.memory_space<vmem>>, %arg2: memref<256x128xf32, #tpu.memory_space<vmem>>, %arg3: memref<256x1xi32, #tpu.memory_space<vmem>>, %arg4: memref<2x64x64xf32, #tpu.memory_space<vmem>>, %arg5: memref<2x1x64xf32, #tpu.memory_space<vmem>>, %arg6: memref<2x1x64xf32, #tpu.memory_space<vmem>>, %arg7: memref<2x1x64xf32, #tpu.memory_space<vmem>>, %arg8: memref<2x1x64xf32, #tpu.memory_space<vmem>>, %arg9: memref<2x1x64xf32, #tpu.memory_space<vmem>>, %arg10: memref<64x64xf32, #tpu.memory_space<vmem>>, %arg11: memref<1x64xf32, #tpu.memory_space<vmem>>, %arg12: memref<64x64xf32, #tpu.memory_space<vmem>>, %arg13: memref<1x64xf32, #tpu.memory_space<vmem>>, %arg14: memref<256x64xf32, #tpu.memory_space<vmem>>, %arg15: memref<1x1xf32, #tpu.memory_space<vmem>>) attributes {dimension_semantics = [#tpu.dimension_semantics<arbitrary>], iteration_bounds = array<i64: 64>, scalar_prefetch = 0 : i64, scratch_operands = 0 : i64, tpu.core_type = #tpu.core_type<tc>, window_params = [{transform_indices = @transform_0, window_bounds = array<i64: 256, 64>}, {transform_indices = @transform_1, window_bounds = array<i64: 256, 128>}, {transform_indices = @transform_2, window_bounds = array<i64: 256, 1>}, {pipeline_mode = #tpu.pipeline_mode<synchronous>, transform_indices = @transform_3, window_bounds = array<i64: 2, 64, 64>}, {pipeline_mode = #tpu.pipeline_mode<synchronous>, transform_indices = @transform_4, window_bounds = array<i64: 2, 1, 64>}, {pipeline_mode = #tpu.pipeline_mode<synchronous>, transform_indices = @transform_5, window_bounds = array<i64: 2, 1, 64>}, {pipeline_mode = #tpu.pipeline_mode<synchronous>, transform_indices = @transform_6, window_bounds = array<i64: 2, 1, 64>}, {pipeline_mode = #tpu.pipeline_mode<synchronous>, transform_indices = @transform_7, window_bounds = array<i64: 2, 1, 64>}, {pipeline_mode = #tpu.pipeline_mode<synchronous>, transform_indices = @transform_8, window_bounds = array<i64: 2, 1, 64>}, {pipeline_mode = #tpu.pipeline_mode<synchronous>, transform_indices = @transform_9, window_bounds = array<i64: 64, 64>}, {pipeline_mode = #tpu.pipeline_mode<synchronous>, transform_indices = @transform_10, window_bounds = array<i64: 1, 64>}, {pipeline_mode = #tpu.pipeline_mode<synchronous>, transform_indices = @transform_11, window_bounds = array<i64: 64, 64>}, {pipeline_mode = #tpu.pipeline_mode<synchronous>, transform_indices = @transform_12, window_bounds = array<i64: 1, 64>}, {transform_indices = @transform_13, window_bounds = array<i64: 256, 64>}, {pipeline_mode = #tpu.pipeline_mode<synchronous>, transform_indices = @transform_14, window_bounds = array<i64: 1, 1>}]} {
    %get3A = arith.constant 0 : index
    %get3A_0 = arith.constant 0 : index
    %get3A_1 = vector.load %arg1[%get3A, %get3A_0] : memref<256x64xf32, #tpu.memory_space<vmem>>, vector<256x64xf32>
    %get3A_2 = arith.constant 0 : index
    %get3A_3 = arith.constant 0 : index
    %get3A_4 = vector.load %arg2[%get3A_2, %get3A_3] : memref<256x128xf32, #tpu.memory_space<vmem>>, vector<256x128xf32>
    %get3A_5 = arith.constant 0 : index
    %get3A_6 = arith.constant 0 : index
    %get3A_7 = vector.load %arg3[%get3A_5, %get3A_6] : memref<256x1xi32, #tpu.memory_space<vmem>>, vector<256x1xi32>
    %and3A = arith.constant 1 : i32
    %and3A_8 = vector.broadcast %and3A : i32 to vector<256x1xi32>
    %and3A_9 = arith.andi %get3A_7, %and3A_8 : vector<256x1xi32>
    %eq3A = arith.constant 0 : i32
    %eq3A_10 = vector.broadcast %eq3A : i32 to vector<256x1xi32>
    %eq3A_11 = arith.cmpi eq, %and3A_9, %eq3A_10 : vector<256x1xi32>
    %slice3A = vector.extract_strided_slice %get3A_4 {offsets = [0, 0], sizes = [256, 64], strides = [1, 1]} : vector<256x128xf32> to vector<256x64xf32>
    %slice3A_12 = vector.extract_strided_slice %get3A_4 {offsets = [0, 64], sizes = [256, 64], strides = [1, 1]} : vector<256x128xf32> to vector<256x64xf32>
    %broadcast_in_dim3A = vector.shape_cast %eq3A_11 : vector<256x1xi1> to vector<256x1xi1>
    %broadcast_in_dim3A_13 = vector.broadcast %broadcast_in_dim3A : vector<256x1xi1> to vector<256x64xi1>
    %select_n3A = arith.select %broadcast_in_dim3A_13, %slice3A, %slice3A_12 : vector<256x64xi1>, vector<256x64xf32>
    %sub3A = arith.subf %select_n3A, %get3A_1 : vector<256x64xf32>
    %mul3A = arith.mulf %sub3A, %sub3A : vector<256x64xf32>
    %reduce_sum3A = vector.shape_cast %mul3A : vector<256x64xf32> to vector<1x256x64xf32>
    %reduce_sum3A_14 = arith.constant dense<0.000000e+00> : vector<1xf32>
    %reduce_sum3A_15 = vector.multi_reduction <add>, %reduce_sum3A, %reduce_sum3A_14 [1, 2] : vector<1x256x64xf32> to vector<1xf32>
    %reduce_sum3A_16 = vector.shape_cast %reduce_sum3A_15 : vector<1xf32> to vector<1x1x1xf32>
    %reduce_sum3A_17 = vector.extract %reduce_sum3A_16[0, 0, 0] : f32 from vector<1x1x1xf32>
    %broadcast_in_dim3A_18 = vector.broadcast %reduce_sum3A_17 : f32 to vector<1x1xf32>
    %eq3A_19 = arith.constant 0 : i32
    %eq3A_20 = arith.cmpi eq, %arg0, %eq3A_19 : i32
    %convert_element_type3A = arith.extui %eq3A_20 : i1 to i32
    %cond3A = arith.constant 0 : i32
    %cond3A_21 = arith.cmpi ne, %convert_element_type3A, %cond3A : i32
    scf.if %cond3A_21 {
      %broadcast_in_dim3A_147 = arith.constant 0.000000e+00 : f32
      %broadcast_in_dim3A_148 = vector.broadcast %broadcast_in_dim3A_147 : f32 to vector<1x1xf32>
      %swap3A_149 = arith.constant 0 : index
      %swap3A_150 = arith.constant 0 : index
      %swap3A_151 = vector.load %arg15[%swap3A_149, %swap3A_150] : memref<1x1xf32, #tpu.memory_space<vmem>>, vector<1x1xf32>
      tpu.vector_store %arg15[%swap3A_149, %swap3A_150], %broadcast_in_dim3A_148 {strides = array<i32>} : memref<1x1xf32, #tpu.memory_space<vmem>>, vector<1x1xf32>,
    } else {
    }
    %get3A_22 = arith.constant 0 : index
    %get3A_23 = arith.constant 0 : index
    %get3A_24 = vector.load %arg15[%get3A_22, %get3A_23] : memref<1x1xf32, #tpu.memory_space<vmem>>, vector<1x1xf32>
    %add3A = arith.addf %get3A_24, %broadcast_in_dim3A_18 : vector<1x1xf32>
    %swap3A = arith.constant 0 : index
    %swap3A_25 = arith.constant 0 : index
    %swap3A_26 = vector.load %arg15[%swap3A, %swap3A_25] : memref<1x1xf32, #tpu.memory_space<vmem>>, vector<1x1xf32>
    tpu.vector_store %arg15[%swap3A, %swap3A_25], %add3A {strides = array<i32>} : memref<1x1xf32, #tpu.memory_space<vmem>>, vector<1x1xf32>,
    %sub3A_27 = arith.subf %select_n3A, %get3A_1 : vector<256x64xf32>
    %add3A_28 = arith.addf %get3A_1, %sub3A_27 : vector<256x64xf32>
    %get3A_29 = arith.constant 0 : index
    %get3A_30 = arith.constant 0 : index
    %get3A_31 = arith.constant 0 : index
    %get3A_32 = vector.load %arg4[%get3A_29, %get3A_30, %get3A_31] : memref<2x64x64xf32, #tpu.memory_space<vmem>>, vector<1x64x64xf32>
    %get3A_33 = vector.shape_cast %get3A_32 : vector<1x64x64xf32> to vector<64x64xf32>
    %dot_general3A = arith.constant dense<0.000000e+00> : vector<256x64xf32>
    %dot_general3A_34 = tpu.matmul %add3A_28, %get3A_33, %dot_general3A {dimension_numbers = #tpu.dot_dimension_numbers<[1], [0], [0], [1], [0, 0, 1, 1], [], []>, transpose_lhs_hint = false} : vector<256x64xf32>, vector<64x64xf32>, vector<256x64xf32> -> vector<256x64xf32>
    %get3A_35 = arith.constant 0 : index
    %get3A_36 = arith.constant 0 : index
    %get3A_37 = arith.constant 0 : index
    %get3A_38 = vector.load %arg5[%get3A_35, %get3A_36, %get3A_37] : memref<2x1x64xf32, #tpu.memory_space<vmem>>, vector<1x1x64xf32>
    %get3A_39 = vector.shape_cast %get3A_38 : vector<1x1x64xf32> to vector<1x64xf32>
    %add3A_40 = vector.broadcast %get3A_39 : vector<1x64xf32> to vector<256x64xf32>
    %add3A_41 = arith.addf %dot_general3A_34, %add3A_40 : vector<256x64xf32>
    %get3A_42 = arith.constant 0 : index
    %get3A_43 = arith.constant 0 : index
    %get3A_44 = arith.constant 0 : index
    %get3A_45 = vector.load %arg6[%get3A_42, %get3A_43, %get3A_44] : memref<2x1x64xf32, #tpu.memory_space<vmem>>, vector<1x1x64xf32>
    %get3A_46 = vector.shape_cast %get3A_45 : vector<1x1x64xf32> to vector<1x64xf32>
    %get3A_47 = arith.constant 0 : index
    %get3A_48 = arith.constant 0 : index
    %get3A_49 = arith.constant 0 : index
    %get3A_50 = vector.load %arg8[%get3A_47, %get3A_48, %get3A_49] : memref<2x1x64xf32, #tpu.memory_space<vmem>>, vector<1x1x64xf32>
    %get3A_51 = vector.shape_cast %get3A_50 : vector<1x1x64xf32> to vector<1x64xf32>
    %sub3A_52 = vector.broadcast %get3A_51 : vector<1x64xf32> to vector<256x64xf32>
    %sub3A_53 = arith.subf %add3A_41, %sub3A_52 : vector<256x64xf32>
    %mul3A_54 = vector.broadcast %get3A_46 : vector<1x64xf32> to vector<256x64xf32>
    %mul3A_55 = arith.mulf %mul3A_54, %sub3A_53 : vector<256x64xf32>
    %get3A_56 = arith.constant 0 : index
    %get3A_57 = arith.constant 0 : index
    %get3A_58 = arith.constant 0 : index
    %get3A_59 = vector.load %arg9[%get3A_56, %get3A_57, %get3A_58] : memref<2x1x64xf32, #tpu.memory_space<vmem>>, vector<1x1x64xf32>
    %get3A_60 = vector.shape_cast %get3A_59 : vector<1x1x64xf32> to vector<1x64xf32>
    %add3A_61 = arith.constant 9.99999974E-6 : f32
    %add3A_62 = vector.broadcast %add3A_61 : f32 to vector<1x64xf32>
    %add3A_63 = arith.addf %get3A_60, %add3A_62 : vector<1x64xf32>
    %sqrt3A = math.sqrt %add3A_63 : vector<1x64xf32>
    %div3A = vector.broadcast %sqrt3A : vector<1x64xf32> to vector<256x64xf32>
    %div3A_64 = arith.divf %mul3A_55, %div3A : vector<256x64xf32>
    %get3A_65 = arith.constant 0 : index
    %get3A_66 = arith.constant 0 : index
    %get3A_67 = arith.constant 0 : index
    %get3A_68 = vector.load %arg7[%get3A_65, %get3A_66, %get3A_67] : memref<2x1x64xf32, #tpu.memory_space<vmem>>, vector<1x1x64xf32>
    %get3A_69 = vector.shape_cast %get3A_68 : vector<1x1x64xf32> to vector<1x64xf32>
    %add3A_70 = vector.broadcast %get3A_69 : vector<1x64xf32> to vector<256x64xf32>
    %add3A_71 = arith.addf %div3A_64, %add3A_70 : vector<256x64xf32>
    %max3A = arith.constant 0.000000e+00 : f32
    %max3A_72 = vector.broadcast %max3A : f32 to vector<256x64xf32>
    %max3A_73 = arith.maximumf %add3A_71, %max3A_72 : vector<256x64xf32>
    %get3A_74 = arith.constant 1 : index
    %get3A_75 = arith.constant 0 : index
    %get3A_76 = arith.constant 0 : index
    %get3A_77 = vector.load %arg4[%get3A_74, %get3A_75, %get3A_76] : memref<2x64x64xf32, #tpu.memory_space<vmem>>, vector<1x64x64xf32>
    %get3A_78 = vector.shape_cast %get3A_77 : vector<1x64x64xf32> to vector<64x64xf32>
    %dot_general3A_79 = arith.constant dense<0.000000e+00> : vector<256x64xf32>
    %dot_general3A_80 = tpu.matmul %max3A_73, %get3A_78, %dot_general3A_79 {dimension_numbers = #tpu.dot_dimension_numbers<[1], [0], [0], [1], [0, 0, 1, 1], [], []>, transpose_lhs_hint = false} : vector<256x64xf32>, vector<64x64xf32>, vector<256x64xf32> -> vector<256x64xf32>
    %get3A_81 = arith.constant 1 : index
    %get3A_82 = arith.constant 0 : index
    %get3A_83 = arith.constant 0 : index
    %get3A_84 = vector.load %arg5[%get3A_81, %get3A_82, %get3A_83] : memref<2x1x64xf32, #tpu.memory_space<vmem>>, vector<1x1x64xf32>
    %get3A_85 = vector.shape_cast %get3A_84 : vector<1x1x64xf32> to vector<1x64xf32>
    %add3A_86 = vector.broadcast %get3A_85 : vector<1x64xf32> to vector<256x64xf32>
    %add3A_87 = arith.addf %dot_general3A_80, %add3A_86 : vector<256x64xf32>
    %get3A_88 = arith.constant 1 : index
    %get3A_89 = arith.constant 0 : index
    %get3A_90 = arith.constant 0 : index
    %get3A_91 = vector.load %arg6[%get3A_88, %get3A_89, %get3A_90] : memref<2x1x64xf32, #tpu.memory_space<vmem>>, vector<1x1x64xf32>
    %get3A_92 = vector.shape_cast %get3A_91 : vector<1x1x64xf32> to vector<1x64xf32>
    %get3A_93 = arith.constant 1 : index
    %get3A_94 = arith.constant 0 : index
    %get3A_95 = arith.constant 0 : index
    %get3A_96 = vector.load %arg8[%get3A_93, %get3A_94, %get3A_95] : memref<2x1x64xf32, #tpu.memory_space<vmem>>, vector<1x1x64xf32>
    %get3A_97 = vector.shape_cast %get3A_96 : vector<1x1x64xf32> to vector<1x64xf32>
    %sub3A_98 = vector.broadcast %get3A_97 : vector<1x64xf32> to vector<256x64xf32>
    %sub3A_99 = arith.subf %add3A_87, %sub3A_98 : vector<256x64xf32>
    %mul3A_100 = vector.broadcast %get3A_92 : vector<1x64xf32> to vector<256x64xf32>
    %mul3A_101 = arith.mulf %mul3A_100, %sub3A_99 : vector<256x64xf32>
    %get3A_102 = arith.constant 1 : index
    %get3A_103 = arith.constant 0 : index
    %get3A_104 = arith.constant 0 : index
    %get3A_105 = vector.load %arg9[%get3A_102, %get3A_103, %get3A_104] : memref<2x1x64xf32, #tpu.memory_space<vmem>>, vector<1x1x64xf32>
    %get3A_106 = vector.shape_cast %get3A_105 : vector<1x1x64xf32> to vector<1x64xf32>
    %add3A_107 = arith.constant 9.99999974E-6 : f32
    %add3A_108 = vector.broadcast %add3A_107 : f32 to vector<1x64xf32>
    %add3A_109 = arith.addf %get3A_106, %add3A_108 : vector<1x64xf32>
    %sqrt3A_110 = math.sqrt %add3A_109 : vector<1x64xf32>
    %div3A_111 = vector.broadcast %sqrt3A_110 : vector<1x64xf32> to vector<256x64xf32>
    %div3A_112 = arith.divf %mul3A_101, %div3A_111 : vector<256x64xf32>
    %get3A_113 = arith.constant 1 : index
    %get3A_114 = arith.constant 0 : index
    %get3A_115 = arith.constant 0 : index
    %get3A_116 = vector.load %arg7[%get3A_113, %get3A_114, %get3A_115] : memref<2x1x64xf32, #tpu.memory_space<vmem>>, vector<1x1x64xf32>
    %get3A_117 = vector.shape_cast %get3A_116 : vector<1x1x64xf32> to vector<1x64xf32>
    %add3A_118 = vector.broadcast %get3A_117 : vector<1x64xf32> to vector<256x64xf32>
    %add3A_119 = arith.addf %div3A_112, %add3A_118 : vector<256x64xf32>
    %max3A_120 = arith.constant 0.000000e+00 : f32
    %max3A_121 = vector.broadcast %max3A_120 : f32 to vector<256x64xf32>
    %max3A_122 = arith.maximumf %add3A_119, %max3A_121 : vector<256x64xf32>
    %get3A_123 = arith.constant 0 : index
    %get3A_124 = arith.constant 0 : index
    %get3A_125 = vector.load %arg10[%get3A_123, %get3A_124] : memref<64x64xf32, #tpu.memory_space<vmem>>, vector<64x64xf32>
    %get3A_126 = arith.constant 0 : index
    %get3A_127 = arith.constant 0 : index
    %get3A_128 = vector.load %arg11[%get3A_126, %get3A_127] : memref<1x64xf32, #tpu.memory_space<vmem>>, vector<1x64xf32>
    %get3A_129 = arith.constant 0 : index
    %get3A_130 = arith.constant 0 : index
    %get3A_131 = vector.load %arg12[%get3A_129, %get3A_130] : memref<64x64xf32, #tpu.memory_space<vmem>>, vector<64x64xf32>
    %get3A_132 = arith.constant 0 : index
    %get3A_133 = arith.constant 0 : index
    %get3A_134 = vector.load %arg13[%get3A_132, %get3A_133] : memref<1x64xf32, #tpu.memory_space<vmem>>, vector<1x64xf32>
    %transpose3A = tpu.transpose %get3A_125, [1, 0] : vector<64x64xf32> -> vector<64x64xf32>
    %dot_general3A_135 = arith.constant dense<0.000000e+00> : vector<256x64xf32>
    %dot_general3A_136 = tpu.matmul %max3A_122, %transpose3A, %dot_general3A_135 {dimension_numbers = #tpu.dot_dimension_numbers<[1], [0], [0], [1], [0, 0, 1, 1], [], []>, transpose_lhs_hint = false} : vector<256x64xf32>, vector<64x64xf32>, vector<256x64xf32> -> vector<256x64xf32>
    %add3A_137 = vector.broadcast %get3A_128 : vector<1x64xf32> to vector<256x64xf32>
    %add3A_138 = arith.addf %dot_general3A_136, %add3A_137 : vector<256x64xf32>
    %tanh3A = math.tanh %add3A_138 : vector<256x64xf32>
    %transpose3A_139 = tpu.transpose %get3A_131, [1, 0] : vector<64x64xf32> -> vector<64x64xf32>
    %dot_general3A_140 = arith.constant dense<0.000000e+00> : vector<256x64xf32>
    %dot_general3A_141 = tpu.matmul %tanh3A, %transpose3A_139, %dot_general3A_140 {dimension_numbers = #tpu.dot_dimension_numbers<[1], [0], [0], [1], [0, 0, 1, 1], [], []>, transpose_lhs_hint = false} : vector<256x64xf32>, vector<64x64xf32>, vector<256x64xf32> -> vector<256x64xf32>
    %add3A_142 = vector.broadcast %get3A_134 : vector<1x64xf32> to vector<256x64xf32>
    %add3A_143 = arith.addf %dot_general3A_141, %add3A_142 : vector<256x64xf32>
    %swap3A_144 = arith.constant 0 : index
    %swap3A_145 = arith.constant 0 : index
    %swap3A_146 = vector.load %arg14[%swap3A_144, %swap3A_145] : memref<256x64xf32, #tpu.memory_space<vmem>>, vector<256x64xf32>
    tpu.vector_store %arg14[%swap3A_144, %swap3A_145], %add3A_143 {strides = array<i32>} : memref<256x64xf32, #tpu.memory_space<vmem>>, vector<256x64xf32>,
    return
  }
  func.func @transform_0(%arg0: i32) -> (i32, i32) {
    %c0_i32 = arith.constant 0 : i32
    %c0_i32_0 = arith.constant 0 : i32
    return %arg0, %c0_i32 : i32, i32
  }
  func.func @transform_1(%arg0: i32) -> (i32, i32) {
    %c0_i32 = arith.constant 0 : i32
    %c0_i32_0 = arith.constant 0 : i32
    return %arg0, %c0_i32 : i32, i32
  }
  func.func @transform_2(%arg0: i32) -> (i32, i32) {
    %c0_i32 = arith.constant 0 : i32
    %c0_i32_0 = arith.constant 0 : i32
    return %arg0, %c0_i32 : i32, i32
  }
  func.func @transform_3(%arg0: i32) -> (i32, i32, i32) {
    %c0_i32 = arith.constant 0 : i32
    %c0_i32_0 = arith.constant 0 : i32
    %c0_i32_1 = arith.constant 0 : i32
    %c0_i32_2 = arith.constant 0 : i32
    return %c0_i32, %c0_i32_0, %c0_i32_1 : i32, i32, i32
  }
  func.func @transform_4(%arg0: i32) -> (i32, i32, i32) {
    %c0_i32 = arith.constant 0 : i32
    %c0_i32_0 = arith.constant 0 : i32
    %c0_i32_1 = arith.constant 0 : i32
    %c0_i32_2 = arith.constant 0 : i32
    return %c0_i32, %c0_i32_0, %c0_i32_1 : i32, i32, i32
  }
  func.func @transform_5(%arg0: i32) -> (i32, i32, i32) {
    %c0_i32 = arith.constant 0 : i32
    %c0_i32_0 = arith.constant 0 : i32
    %c0_i32_1 = arith.constant 0 : i32
    %c0_i32_2 = arith.constant 0 : i32
    return %c0_i32, %c0_i32_0, %c0_i32_1 : i32, i32, i32
  }
  func.func @transform_6(%arg0: i32) -> (i32, i32, i32) {
    %c0_i32 = arith.constant 0 : i32
    %c0_i32_0 = arith.constant 0 : i32
    %c0_i32_1 = arith.constant 0 : i32
    %c0_i32_2 = arith.constant 0 : i32
    return %c0_i32, %c0_i32_0, %c0_i32_1 : i32, i32, i32
  }
  func.func @transform_7(%arg0: i32) -> (i32, i32, i32) {
    %c0_i32 = arith.constant 0 : i32
    %c0_i32_0 = arith.constant 0 : i32
    %c0_i32_1 = arith.constant 0 : i32
    %c0_i32_2 = arith.constant 0 : i32
    return %c0_i32, %c0_i32_0, %c0_i32_1 : i32, i32, i32
  }
  func.func @transform_8(%arg0: i32) -> (i32, i32, i32) {
    %c0_i32 = arith.constant 0 : i32
    %c0_i32_0 = arith.constant 0 : i32
    %c0_i32_1 = arith.constant 0 : i32
    %c0_i32_2 = arith.constant 0 : i32
    return %c0_i32, %c0_i32_0, %c0_i32_1 : i32, i32, i32
  }
  func.func @transform_9(%arg0: i32) -> (i32, i32) {
    %c0_i32 = arith.constant 0 : i32
    %c0_i32_0 = arith.constant 0 : i32
    %c0_i32_1 = arith.constant 0 : i32
    return %c0_i32, %c0_i32_0 : i32, i32
  }
  func.func @transform_10(%arg0: i32) -> (i32, i32) {
    %c0_i32 = arith.constant 0 : i32
    %c0_i32_0 = arith.constant 0 : i32
    %c0_i32_1 = arith.constant 0 : i32
    return %c0_i32, %c0_i32_0 : i32, i32
  }
  func.func @transform_11(%arg0: i32) -> (i32, i32) {
    %c0_i32 = arith.constant 0 : i32
    %c0_i32_0 = arith.constant 0 : i32
    %c0_i32_1 = arith.constant 0 : i32
    return %c0_i32, %c0_i32_0 : i32, i32
  }
  func.func @transform_12(%arg0: i32) -> (i32, i32) {
    %c0_i32 = arith.constant 0 : i32
    %c0_i32_0 = arith.constant 0 : i32
    %c0_i32_1 = arith.constant 0 : i32
    return %c0_i32, %c0_i32_0 : i32, i32
  }
  func.func @transform_13(%arg0: i32) -> (i32, i32) {
    %c0_i32 = arith.constant 0 : i32
    %c0_i32_0 = arith.constant 0 : i32
    return %arg0, %c0_i32 : i32, i32
  }
  func.func @transform_14(%arg0: i32) -> (i32, i32) {
    %c0_i32 = arith.constant 0 : i32
    %c0_i32_0 = arith.constant 0 : i32
    %c0_i32_1 = arith.constant 0 : i32
    return %c0_i32, %c0_i32_0 : i32, i32
  }
}

</mosaic_0001>

<sc_bundles>
// kernel: kernel.6.cloned.1.call-start
scs
__scs_entry_jumppad:
0x0: {  	(pc) =	sbr.rel $0x88, $3  }
0x1: {  	(tag) =	ssettag $0x0;
	lr =	simm.s32 $0x1  }
0x2: {  	[smem:$0x3F8B] =	sst lr;
	_ =	strace $0xD0000000  }
0x3: {  	_ = 	snop  }
0x4: {  	_ = 	snop  }
0x5: {  	_ = 	snop  }
0x6: {  	_ = 	snop  }
0x7: {  	_ = 	snop  }
__scs_overlays_trampoline_lowered:
0x8: {  	[smem:$0x3F9A] =	sst s0  }
0x9: {  	[smem:$0x3F9B] =	sst s1  }
0xa: {  	[smem:$0x3F9C] =	sst s2  }
0xb: {  	[smem:$0x3F9D] =	sst s3  }
0xc: {  	[smem:$0x3F9E] =	sst s4  }
0xd: {  	[smem:$0x3F9F] =	sst s5  }
0xe: {  	[smem:$0x3FA0] =	sst s6  }
0xf: {  	[smem:$0x3FA1] =	sst s7  }
0x10: {  	[smem:$0x3FA2] =	sst s8  }
0x11: {  	[smem:$0x3FA3] =	sst s9;
	s0 =	simm.s32 @!p0 $0x0  }
0x12: {  	s1 =	sld [smem:$0x3F89];
	s0 =	simm.s32 @p0 $0x1  }
0x13: {  	[smem:$0x3FA4] =	sst s0;
	s0 =	simm.s32 @!p1 $0x0  }
0x14: {  	s2 =	sld [smem:$0x3F88];
	s0 =	simm.s32 @p1 $0x1  }
0x15: {  	[smem:$0x3FA5] =	sst s0;
	s0 =	simm.s32 @!p2 $0x0  }
0x16: {  	s3 =	sld [smem:$0x3FDB];
	s0 =	simm.s32 @p2 $0x1  }
0x17: {  	s4 =	simm.s32 $0x1BF5;
	[smem:$0x3FA7] =	sst s0  }
0x18: {  	s0 =	sld [smem:$0x3F8A];
	_ =	swait.ge [sflag:s4], $0x0  }
0x19: {  	s7 =	sld [smem:$0x3F8B]  }
0x1a: {  	s8 =	sadd.s32 $0xFFFFE003, lr  }
0x1b: {  	s9 =	sadd.s32 $0xFFFFFEF7, lr;
	s5 =	simm.s32 $0xFFFFFFFF;
	p2 =	slt.u32 s8, $0xFFFFF086  }
0x1c: {  	p1 =	slt.u32 s9, $0xF7A;
	s5 =	simm.s32 @!p2 $0x0  }
0x1d: {  	s5 =	simm.s32 @p1 $0x1;
	p0 =	seq.s32 s7, s2  }
0x1e: {  	s7 =	smul.u32 @!p0 $0xF7A, s2;
	p2 =	seq.s32 @!p0 s5, $0x0  }
0x1f: {  	s9 =	smul.u32 $0xF7A, s1;
	s8 =	simm.s32 @!p0 $0x1BF5;
	p2 =	por !p2, p0  }
0x20: {  	[sflag:s8] =	ssyncset.s32 @!p0 $0xFFFFF086;
	s6 =	sadd.s32 @!p0 s3, s7;
	s7 =	simm.s32 @!p0 $0x108  }
0x21: {  	s3 =	sadd.s32 s3, s9;
	s6 =	sadd.s32 @!p0 $0x88, s6;
	s7 =	simm.s32 @p2 $0x1082  }
0x22: {  	[simem:s7], [sflag:s8] =	dma.local @!p0 [hbm:s6], $0xF7A  }
0x23: {  	s9 =	sor.u32 $0xD0000000, s2;
	s6 =	simm.s32 $0x108;
	_ =	swait.ge @!p0 [sflag:s8], $0x0  }
0x24: {  	s3 =	sadd.s32 $0x88, s3;
	s6 =	simm.s32 @!p1 $0x1082;
	[sflag:s4] =	ssyncset.s32 $0xFFFFF086  }
0x25: {  	[simem:s6], [sflag:s4] =	dma.local [hbm:s3], $0xF7A  }
0x26: {  	[smem:$0x3F8B] =	sst s1;
	(tag) =	ssettag s2;
	_ =	strace s9  }
0x27: {  	s1 =	sld [smem:$0x3F9B]  }
0x28: {  	s2 =	sld [smem:$0x3F9C]  }
0x29: {  	s4 =	sld [smem:$0x3F9E]  }
0x2a: {  	p0 =	seq.s32 s5, $0x0;
	s5 =	sld [smem:$0x3F9F]  }
0x2b: {  	s6 =	sld [smem:$0x3FA0]  }
0x2c: {  	s7 =	sld [smem:$0x3FA1]  }
0x2d: {  	s3 =	simm.s32 $0x108;
	s8 =	sld [smem:$0x3FA2]  }
0x2e: {  	s3 =	simm.s32 @!p0 $0x1082;
	s9 =	sld [smem:$0x3FA3]  }
0x2f: {  	lr =	sadd.s32 s0, s3;
	s0 =	sld [smem:$0x3F9A]  }
0x30: {  	s3 =	sld [smem:$0x3F9D]  }
0x31: {  	[smem:$0x3FA6] =	sst s10  }
0x32: {  	s10 =	sld [smem:$0x3FA4];
	_ =	sdelay $0x3  }
0x33: {  	p0 =	seq.s32 s10, $0x1;
	s10 =	sld [smem:$0x3FA6];
	_ =	sdelay $0x3  }
0x34: {  	[smem:$0x3FA6] =	sst s10  }
0x35: {  	s10 =	sld [smem:$0x3FA5];
	_ =	sdelay $0x3  }
0x36: {  	p1 =	seq.s32 s10, $0x1;
	s10 =	sld [smem:$0x3FA6];
	_ =	sdelay $0x3  }
0x37: {  	[smem:$0x3FA6] =	sst s10  }
0x38: {  	s10 =	sld [smem:$0x3FA7]  }
0x39: {  	_ = 	snop;
	(pc) =	sbr.ind lr, $3  }
0x3a: {  	_ = 	snop  }
0x3b: {  	_ = 	snop  }
0x3c: {  	p2 =	seq.s32 s10, $0x1;
	s10 =	sld [smem:$0x3FA6]  }
0x3d: {  	_ =	shalt  }
0x3e: {  	_ =	shalt  }
0x3f: {  	_ =	shalt  }
0x40: {  	_ =	shalt  }
0x41: {  	_ =	shalt  }
0x42: {  	_ =	shalt  }
0x43: {  	_ =	shalt  }
0x44: {  	_ =	shalt  }
0x45: {  	_ =	shalt  }
0x46: {  	_ =	shalt  }
0x47: {  	_ =	shalt  }
0x48: {  	_ =	shalt  }
0x49: {  	_ =	shalt  }
0x4a: {  	_ =	shalt  }
0x4b: {  	_ =	shalt  }
0x4c: {  	_ =	shalt  }
0x4d: {  	_ =	shalt  }
0x4e: {  	_ =	shalt  }
0x4f: {  	_ =	shalt  }
0x50: {  	_ =	shalt  }
0x51: {  	_ =	shalt  }
0x52: {  	_ =	shalt  }
0x53: {  	_ =	shalt  }
0x54: {  	_ =	shalt  }
0x55: {  	_ =	shalt  }
0x56: {  	_ =	shalt  }
0x57: {  	_ =	shalt  }
0x58: {  	_ =	shalt  }
0x59: {  	_ =	shalt  }
0x5a: {  	_ =	shalt  }
0x5b: {  	_ =	shalt  }
0x5c: {  	_ =	shalt  }
0x5d: {  	_ =	shalt  }
0x5e: {  	_ =	shalt  }
0x5f: {  	_ =	shalt  }
0x60: {  	_ =	shalt  }
0x61: {  	_ =	shalt  }
0x62: {  	_ =	shalt  }
0x63: {  	_ =	shalt  }
0x64: {  	_ =	shalt  }
0x65: {  	_ =	shalt  }
0x66: {  	_ =	shalt  }
0x67: {  	_ =	shalt  }
0x68: {  	_ =	shalt  }
0x69: {  	_ =	shalt  }
0x6a: {  	_ =	shalt  }
0x6b: {  	_ =	shalt  }
0x6c: {  	_ =	shalt  }
0x6d: {  	_ =	shalt  }
0x6e: {  	_ =	shalt  }
0x6f: {  	_ =	shalt  }
0x70: {  	_ =	shalt  }
0x71: {  	_ =	shalt  }
0x72: {  	_ =	shalt  }
0x73: {  	_ =	shalt  }
0x74: {  	_ =	shalt  }
0x75: {  	_ =	shalt  }
0x76: {  	_ =	shalt  }
0x77: {  	_ =	shalt  }
0x78: {  	_ =	shalt  }
0x79: {  	_ =	shalt  }
0x7a: {  	_ =	shalt  }
0x7b: {  	_ =	shalt  }
0x7c: {  	_ =	shalt  }
0x7d: {  	_ =	shalt  }
0x7e: {  	_ =	shalt  }
0x7f: {  	_ =	shalt  }
0x80: {  	_ =	shalt  }
0x81: {  	_ =	shalt  }
0x82: {  	_ =	shalt  }
0x83: {  	_ =	shalt  }
0x84: {  	_ =	shalt  }
0x85: {  	_ =	shalt  }
0x86: {  	_ =	shalt  }
0x87: {  	_ =	shalt  }
.Lfunc_end0:
.L_simem_size_0:
called_computation_lowered:
.L_overlay_start_0:
0x88: {  	s2 =	sld [smem:$0x3FD9]  }
0x89: {  	s3 =	sld [smem:$0x3FFE];
	_ =	sdelay $0x1  }
0x8a: {  	s1 =	srdreg.scid  }
0x8b: {  	s0 =	sand.u32 $0x1, s1  }
0x8c: {  	s14 =	sshll.u32 s0, $0xA;
	s2 =	sadd.s32 s3, s2  }
0x8d: {  	s2 =	sadd.s32 s2, s14  }
0x8e: {  	[smem:$0x3FB2] =	sst s2  }
0x8f: {  	_ = 	snop  }
0x90: {  	s2 =	sld [smem:$0x3FD0];
	_ =	sdelay $0x2  }
0x91: {  	s15 =	simm.s32 $0xA;
	s4 =	simm.s32 $0x10  }
0x92: {  	[smem:s4], [sflag:s15] =	dma.local [hbm:s2], $0x1  }
0x93: {  	_ =	swait.eq [sflag:s15], $0x1  }
0x94: {  	[sflag:s15] =	ssyncset.done $0x0  }
0x95: {  	[sflag:s15] =	ssyncadd.s32 $0xFFFFFFFF  }
0x96: {  	s16 =	sld [smem:$0x10];
	(tm) =	ssettm $0x1  }
0x97: {  	s17 =	sld [smem:$0x3FFB];
	_ =	sdelay $0x3  }
0x98: {  	_ =	strace s17  }
0x99: {  	s3 =	sld [smem:$0x3FFC];
	_ =	sdelay $0x3  }
0x9a: {  	_ =	strace s3  }
0x9b: {  	s3 =	sld [smem:$0x3FFD];
	_ =	sdelay $0x3  }
0x9c: {  	_ =	strace s3  }
0x9d: {  	_ =	strace $0x8FFFFFFF  }
0x9e: {  	s18 =	sld [smem:$0x3FDB];
	_ =	sdelay $0x1  }
0x9f: {  	s19 =	simm.s32 $_scs_section_size  }
0xa0: {  	s5 =	simm.s32 $_size__tile_overlayer_lowered;
	s6 =	simm.s32 $_tile_overlayer_lowered  }
0xa1: {  	s22 =	simm.s32 $0x1BFF;
	s21 =	sshll.u32 s6, $0x1;
	s3 =	sadd.s32 s19, s18  }
0xa2: {  	s7 =	simm.s32 $0x0;
	s20 =	sshll.u32 s5, $0x1;
	s5 =	sadd.s32 s21, s3  }
0xa3: {  	[timem:s7], [sflag:s22] =	dma.local [hbm:s5], s20  }
0xa4: {  	_ =	swait.ge [sflag:s22], s20  }
0xa5: {  	s4 =	ssub.s32 $0x0, s20;
	[sflag:s22] =	ssyncset.done $0x0  }
0xa6: {  	[sflag:s22] =	ssyncadd.s32 s4;
	_ =	sdelay $0x1  }
0xa7: {  	s23 =	simm.s32 $0x1B8B  }
0xa8: {  	_ =	swait.ge [sflag:s23], $0x1  }
0xa9: {  	[sflag:s23] =	ssyncset.done $0x0  }
0xaa: {  	s25 =	simm.s32 $0x1B8E;
	s24 =	sld [smem:$0x3FFE];
	[sflag:s23] =	ssyncadd.s32 $0xFFFFFFFF  }
0xab: {  	s26 =	simm.s32 $execute0_lowered;
	[smem:$0x3FD2] =	sst s25  }
0xac: {  	s5 =	sshll.u32 s26, $0x1;
	_ =	strace $0x80000046;
	[dreg:$0x1] =	wrdreg $0xFFFFFFFF  }
0xad: {  	s28 =	simm.s32 $_size_execute0_lowered;
	s3 =	sadd.s32 s3, s5;
	[dreg:$0x0] =	wrdreg $0x0  }
0xae: {  	s5 =	sshll.u32 s28, $0x1;
	[dreg:$0x2] =	wrdreg s3  }
0xaf: {  	[dreg:$0x3] =	wrdreg s5  }
0xb0: {  	[dreg:$0x4] =	wrdreg $0xC0  }
0xb1: {  	_ =	task [dreg:s7], $0x5FFFF  }
0xb2: {  	[dreg:$0x1] =	wrdreg $0xFFFFFFFF  }
0xb3: {  	[dreg:$0x0] =	wrdreg $0x60  }
0xb4: {  	[dreg:$0x2] =	wrdreg s24  }
0xb5: {  	[dreg:$0x3] =	wrdreg s16  }
0xb6: {  	[dreg:$0x4] =	wrdreg $0x9  }
0xb7: {  	_ =	task.clear_ibuf [dreg:s7], $0x5FFFF;
	_ =	strace $0x90000046  }
0xb8: {  	s29 =	simm.s32 $0x9;
	_ =	strace $0x80000048  }
0xb9: {  	_ =	swait.ge [sflag:s29], $0x1  }
0xba: {  	[sflag:s29] =	ssyncadd.s32 $0xFFFFFFFF  }
0xbb: {  	_ =	strace $0x90000048  }
0xbc: {  	_ =	sfence  }
0xbd: {  	s30 =	sld [smem:$0x0];
	_ =	sdelay $0x2  }
0xbe: {  	s31 =	sshll.u32 s1, $0xD;
	s1 =	sshrl.u32 s1, $0x2  }
0xbf: {  	s3 =	sand.u32 $0x4000, s31;
	s1 =	sadd.s32 s1, s30  }
0xc0: {  	s0 =	sor.u32 s3, s0;
	s1 =	sshll.u32 s1, $0x11  }
0xc1: {  	s0 =	sor.u32 s1, s0  }
0xc2: {  	s0 =	sadd.s32 $0x8F2B, s0  }
0xc3: {  	[sflag:s0] =	ssyncadd.remote.s32 $0x1  }
0xc4: {  	_ =	sfence.sel $0xFFFF  }
0xc5: {  	[dreg:$0x0] =	wrdreg $0xFFFFFFFF;
	(pc) =	sbr.abs _section_cstart, $3  }
0xc6: {  	[dreg:$0x1] =	wrdreg $0xFFFFFFFF  }
0xc7: {  	_ =	task.clear_ibuf [dreg:s7], $0x2FFFF;
	_ =	strace $0x9FFFFFFF  }
0xc8: {  	(tm) =	ssettm $0x7FFFFFFF  }
0xc9: {  	_ =	shalt  }
tec
execute0_lowered:
.L_overlay_start_1:
0x0: {  	(tag) =	ssettag $0x1  }
0x1: {  	s15 =	rddreg [dreg:$0x0];
	s1 =	srdreg.scid  }
0x2: {  	s0 =	stileid.u32;
	s3 =	rddreg [dreg:$0x1];
	s6 =	simm.s32 $0x400  }
0x3: {  	s16 =	sand.u32 $0x1, s1;
	s2 =	sshll.u32 s0, $0x1;
	s1 =	rddreg [dreg:$0x2]  }
0x4: {  	s4 =	sshll.u32 s0, $0x7;
	s17 =	sor.u32 s16, s2;
	s2 =	simm.s32 $0x0  }
0x5: {  	s4 =	sand.u32 $0x600, s4;
	s5 =	sshll.u32 s17, $0x4;
	[smem:$0x7FF] =	sst s2  }
0x6: {  	s3 =	sadd.s32 s3, s4;
	s4 =	simm.s32 $0x80;
	s5 =	sand.u32 $0x70, s5  }
0x7: {  	_ =	strace $0x80000047;
	s3 =	sadd.s32 s5, s3;
	s5 =	simm.s32 $0x2  }
0x8: {  	[tilespmem:s2], [sflag:$0x2] =	stream.strided.gather [hbm4b:s3+s4], $0x200, s6, s4, $0x38;
	[tilespmem:$0x10200] =	vst v63  }
0x9: {  	_ =	swait.ge [sflag:s5], $0x200  }
0xa: {  	[sflag:s5] =	ssyncset.done $0x0  }
0xb: {  	s8 =	simm.s32 $0x200;
	s7 =	sadd.s32 $0x1800, s15;
	[sflag:s5] =	ssyncadd.s32 $0xFFFFFE00  }
0xc: {  	[tilespmem:s8], [sflag:$0x1] =	stream.indirect.gather [hbm4b:s7+s4], $0x80, s2, s4, $0xb8;
	[tilespmem:$0x10200] =	vst v63  }
0xd: {  	s9 =	simm.s32 $0x4200  }
0xe: {  	[tilespmem:s9], [sflag:$0x1] =	stream.indirect.gather [hbm4b:s7+s4], $0x80, s4, s4, $0xb8;
	[tilespmem:$0x10200] =	vst v63  }
0xf: {  	s10 =	simm.s32 $0x100;
	s11 =	simm.s32 $0x8200  }
0x10: {  	[tilespmem:s11], [sflag:$0x1] =	stream.indirect.gather [hbm4b:s7+s4], $0x80, s10, s4, $0xb8;
	[tilespmem:$0x10200] =	vst v63  }
0x11: {  	s12 =	simm.s32 $0x180;
	s13 =	simm.s32 $0xC200;
	s14 =	simm.s32 $0x1  }
0x12: {  	[tilespmem:s13], [sflag:$0x1] =	stream.indirect.gather [hbm4b:s7+s4], $0x80, s12, s4, $0xb8;
	[tilespmem:$0x10200] =	vst v63  }
0x13: {  	_ =	swait.ge [sflag:s14], $0x4000  }
0x14: {  	[sflag:s14] =	ssyncset.done $0x0  }
0x15: {  	[sflag:s14] =	ssyncadd.s32 $0xFFFFC000  }
0x16: {  	_ =	swait.ge [sflag:s14], $0x4000  }
0x17: {  	[sflag:s14] =	ssyncset.done $0x0  }
0x18: {  	s16 =	ssub.s32 $0x2, s16;
	[sflag:s14] =	ssyncadd.s32 $0xFFFFC000  }
0x19: {  	s18 =	sshrl.u32 s16, $0x1;
	_ =	swait.ge [sflag:s14], $0x4000  }
0x1a: {  	s16 =	ssub.s32 s16, s18;
	[sflag:s14] =	ssyncset.done $0x0  }
0x1b: {  	s16 =	smax.u32 s16, $0x1;
	[sflag:s14] =	ssyncadd.s32 $0xFFFFC000  }
0x1c: {  	s17 =	sshll.u32 s17, $0xD;
	p0 =	sne.s32 s16, $0x1;
	_ =	swait.ge [sflag:s14], $0x4000  }
.Ltmp0:
0x1d: {  	s15 =	sadd.s32 s17, s15;
	[sflag:s14] =	ssyncset.done $0x0;
	(pc) =	sbr.rel @!p0 .LBB2_2-.Ltmp0, $4  }
0x1e: {  	s15 =	sadd.s32 $0x11800, s15;
	[sflag:s14] =	ssyncadd.s32 $0xFFFFC000  }
0x1f: {  	[hbm4b:s15+s2] =	stream.linear.scatter [tilespmem:s8], [sflag:$0x2], $0x10000, $0x38;
	[tilespmem:$0x10200] =	vst v63  }
0x20: {  	_ =	swait.ge [sflag:s5], $0x10000  }
0x21: {  	s16 =	sadd.s32 $0xFFFFFFFF, s16;
	[sflag:s5] =	ssyncset.done $0x0  }
.LBB2_1:
0x22: {  	p0 =	sne.s32 s16, $0x1;
	s16 =	sadd.s32 $0xFFFFFFFF, s16;
	[sflag:s5] =	ssyncadd.s32 $0xFFFF0000  }
0x23: {  	[tilespmem:s2], [sflag:$0x2] =	stream.strided.gather [hbm4b:s3+s4], $0x200, s6, s4, $0x38;
	[tilespmem:$0x10200] =	vst v63  }
0x24: {  	_ =	swait.ge [sflag:s5], $0x200  }
0x25: {  	[sflag:s5] =	ssyncset.done $0x0  }
0x26: {  	[sflag:s5] =	ssyncadd.s32 $0xFFFFFE00  }
0x27: {  	[tilespmem:s8], [sflag:$0x1] =	stream.indirect.gather [hbm4b:s7+s4], $0x80, s2, s4, $0xb8;
	[tilespmem:$0x10200] =	vst v63  }
0x28: {  	_ = 	snop  }
0x29: {  	[tilespmem:s9], [sflag:$0x1] =	stream.indirect.gather [hbm4b:s7+s4], $0x80, s4, s4, $0xb8;
	[tilespmem:$0x10200] =	vst v63  }
0x2a: {  	_ = 	snop  }
0x2b: {  	[tilespmem:s11], [sflag:$0x1] =	stream.indirect.gather [hbm4b:s7+s4], $0x80, s10, s4, $0xb8;
	[tilespmem:$0x10200] =	vst v63  }
0x2c: {  	_ = 	snop  }
0x2d: {  	[tilespmem:s13], [sflag:$0x1] =	stream.indirect.gather [hbm4b:s7+s4], $0x80, s12, s4, $0xb8;
	[tilespmem:$0x10200] =	vst v63  }
0x2e: {  	_ =	swait.ge [sflag:s14], $0x4000  }
0x2f: {  	[sflag:s14] =	ssyncset.done $0x0  }
0x30: {  	[sflag:s14] =	ssyncadd.s32 $0xFFFFC000  }
0x31: {  	_ =	swait.ge [sflag:s14], $0x4000  }
0x32: {  	[sflag:s14] =	ssyncset.done $0x0  }
0x33: {  	[sflag:s14] =	ssyncadd.s32 $0xFFFFC000  }
0x34: {  	_ =	swait.ge [sflag:s14], $0x4000  }
0x35: {  	[sflag:s14] =	ssyncset.done $0x0  }
0x36: {  	[sflag:s14] =	ssyncadd.s32 $0xFFFFC000  }
0x37: {  	_ =	swait.ge [sflag:s14], $0x4000  }
.Ltmp1:
0x38: {  	[sflag:s14] =	ssyncset.done $0x0;
	(pc) =	sbr.rel @p0 .LBB2_1-.Ltmp1, $4  }
0x39: {  	[sflag:s14] =	ssyncadd.s32 $0xFFFFC000  }
0x3a: {  	[hbm4b:s15+s2] =	stream.linear.scatter [tilespmem:s8], [sflag:$0x2], $0x10000, $0x38;
	[tilespmem:$0x10200] =	vst v63  }
0x3b: {  	_ =	swait.ge [sflag:s5], $0x10000  }
0x3c: {  	[sflag:s5] =	ssyncset.done $0x0  }
.LBB2_2:
0x3d: {  	[sflag:s5] =	ssyncadd.s32 $0xFFFF0000  }
0x3e: {  	_ =	sfence.sel $0x180000  }
0x3f: {  	[bflag:$0x0] =	sbarrier.arrive $0xFFFF  }
0x40: {  	p0 =	sne.s32 s0, $0x0;
	_ =	strace $0x90000047  }
0x41: {  	s0 =	sadd.s32 @!p0 $0x100000, s1;
	[bflag:$0x2] =	sbarrier.arrive $0xFFFF  }
0x42: {  	[sflag:s0] =	ssyncadd.tile.s32 @!p0 $0x1;
	_ =	shalt  }
.Lfunc_end2:
_tile_overlayer_lowered:
.L_overlay_start_2:
0x43: {  	(tag) =	ssettag $0x2  }
0x44: {  	s0 =	rddreg [dreg:$0x0];
	s2 =	stileid.u32  }
0x45: {  	s1 =	rddreg [dreg:$0x1];
	p0 =	sne.s32 s2, $0x0  }
0x46: {  	s3 =	rddreg [dreg:$0x2];
	[bflag:$0x3] =	sbarrier.arrive $0xFFFF;
	s2 =	simm.s32 @!p0 $0x1C02  }
0x47: {  	[timem:s3], [sflag:s2] =	dma.local @!p0 [hbm:s0], s1  }
0x48: {  	s0 =	simm.s32 @!p0 $0x2  }
0x49: {  	_ =	swait.ge @!p0 [sflag:s0], s1  }
0x4a: {  	s1 =	ssub.s32 @!p0 $0x0, s1;
	[sflag:s0] =	ssyncset.done @!p0 $0x0  }
0x4b: {  	[sflag:s0] =	ssyncadd.s32 @!p0 s1  }
0x4c: {  	[bflag:$0x3] =	sbarrier.arrive $0xFFFF  }
0x4d: {  	_ =	shalt  }

</sc_bundles>
